<compile_context>
chip_gen: v7x
topology: tpu7x:2x2x1
jax: 0.10.2.dev20260603
libtpu: 0.0.44.dev20260713+nightly
codegen_flags: <defaults>
</compile_context>

<pallas_src>
import jax
import jax.numpy as jnp
from jax import lax
from jax.experimental import pallas as pl
from jax.experimental.pallas import tpu as pltpu
from jax.experimental.pallas import tpu_sc as plsc

N = 10000
E = 320000
F = 128
C = 64
D = 128
NPAD = 10016
DUMMY = N

NC = 2
NS = 16
NW = NC * NS
EPW = E // NW
BE = 80
STEPS = EPW // BE
NROWS = 10240
RPT = NROWS // NS

BM1 = 2504
BM2 = 2000


def _mm_body(x_ref, w_ref, o_ref):
    xw = lax.dot_general(x_ref[...], w_ref[...],
                         (((1,), (1,)), ((), ())),
                         preferred_element_type=jnp.float32)
    i = pl.program_id(0)
    rows = i * BM1 + lax.broadcasted_iota(jnp.int32, (BM1, 1), 0)
    ones = (rows < N).astype(jnp.float32)
    o_ref[...] = jnp.concatenate(
        [xw, ones, jnp.zeros((BM1, D - C - 1), jnp.float32)], axis=1)


def _sc_body(xw_hbm, packed_hbm, part_hbm,
             pfull, ab0, cb0, gb0, ab1, cb1, gb1, ab2, cb2, gb2, acc,
             sg0, sg1, sg2, sz0, sz1):
    cid = lax.axis_index("c")
    tid = lax.axis_index("s")
    wid = cid * NS + tid
    r0 = tid * RPT
    ebase = wid * EPW

    pltpu.async_copy(packed_hbm.at[pl.ds(ebase, EPW)], pfull, sg0)

    def zfill(i, carry):
        for j in range(D // 16):
            gb0[i, pl.ds(j * 16, 16)] = jnp.zeros((16,), jnp.float32)
        return carry
    lax.fori_loop(0, BE, zfill, 0)
    zsem = (sz0, sz1)
    nz = RPT // BE
    for k in range(nz):
        if k >= 2:
            pltpu.make_async_copy(
                gb0, acc.at[pl.ds(r0 + (k - 2) * BE, BE)], zsem[k % 2]).wait()
        pltpu.async_copy(gb0, acc.at[pl.ds(r0 + k * BE, BE)], zsem[k % 2])
    for k in (nz - 2, nz - 1):
        pltpu.make_async_copy(
            gb0, acc.at[pl.ds(r0 + k * BE, BE)], zsem[k % 2]).wait()
    pltpu.make_async_copy(packed_hbm.at[pl.ds(ebase, EPW)], pfull, sg0).wait()
    plsc.subcore_barrier()

    bufs = ((ab0, cb0, gb0, sg0), (ab1, cb1, gb1, sg1), (ab2, cb2, gb2, sg2))

    def stage(s, p):
        ab, cb, gb, sg = bufs[p]
        off = s * BE
        for j in range(BE // 16):
            v = pfull[pl.ds(off + j * 16, 16)]
            dl = pl.ds(j * 16, 16)
            r = jnp.bitwise_and(v, jnp.full((16,), 0xFFFF, jnp.int32))
            c = lax.shift_right_logical(v, jnp.full((16,), 16, jnp.int32))
            ab[dl] = jnp.where(r == c, jnp.full((16,), DUMMY, jnp.int32), r)
            cb[dl] = c
        pltpu.async_copy(xw_hbm.at[ab], gb, sg)

    def drain(p):
        ab, cb, gb, sg = bufs[p]
        pltpu.make_async_copy(xw_hbm.at[ab], gb, sg).wait()
        pltpu.sync_copy(gb, acc.at[cb], add=True)

    stage(0, 0)
    stage(1, 1)

    def body(i, carry):
        stage(3 * i + 2, 2)
        drain(0)
        stage(3 * i + 3, 0)
        drain(1)
        stage(3 * i + 4, 1)
        drain(2)
        return carry
    lax.fori_loop(0, (STEPS - 2) // 3, body, 0)
    drain(0)
    drain(1)

    plsc.subcore_barrier()
    pltpu.sync_copy(acc.at[pl.ds(r0, RPT)],
                    part_hbm.at[cid, pl.ds(r0, RPT)])


def _combine_body(p_ref, xw_ref, b_ref, o_ref):
    p = p_ref[0] + p_ref[1]
    num = p[:, :C] + xw_ref[:, :C]
    deg = p[:, C:C + 1] + 1.0
    o_ref[...] = num / deg + b_ref[...]


def kernel(x, adj, W, b):
    xp = jnp.pad(x, ((0, NPAD - N), (0, 0)))
    packed = jnp.bitwise_or(adj[0], jnp.left_shift(adj[1], 16))

    xw_aug = pl.pallas_call(
        _mm_body,
        grid=(NPAD // BM1,),
        in_specs=[
            pl.BlockSpec((BM1, F), lambda i: (i, 0)),
            pl.BlockSpec((C, F), lambda i: (0, 0)),
        ],
        out_specs=pl.BlockSpec((BM1, D), lambda i: (i, 0)),
        out_shape=jax.ShapeDtypeStruct((NPAD, D), jnp.float32),
    )(xp, W)

    mesh = plsc.VectorSubcoreMesh(core_axis_name="c", subcore_axis_name="s")
    part = pl.kernel(
        _sc_body,
        out_type=jax.ShapeDtypeStruct((NC, NROWS, D), jnp.float32),
        mesh=mesh,
        scratch_types=[
            pltpu.VMEM((EPW,), jnp.int32),
            pltpu.VMEM((BE,), jnp.int32),
            pltpu.VMEM((BE,), jnp.int32),
            pltpu.VMEM((BE, D), jnp.float32),
            pltpu.VMEM((BE,), jnp.int32),
            pltpu.VMEM((BE,), jnp.int32),
            pltpu.VMEM((BE, D), jnp.float32),
            pltpu.VMEM((BE,), jnp.int32),
            pltpu.VMEM((BE,), jnp.int32),
            pltpu.VMEM((BE, D), jnp.float32),
            pltpu.VMEM_SHARED((NROWS, D), jnp.float32),
            pltpu.SemaphoreType.DMA,
            pltpu.SemaphoreType.DMA,
            pltpu.SemaphoreType.DMA,
            pltpu.SemaphoreType.DMA,
            pltpu.SemaphoreType.DMA,
        ],
    )(xw_aug, packed)

    out = pl.pallas_call(
        _combine_body,
        grid=(N // BM2,),
        in_specs=[
            pl.BlockSpec((NC, BM2, D), lambda i: (0, i, 0)),
            pl.BlockSpec((BM2, D), lambda i: (i, 0)),
            pl.BlockSpec((1, C), lambda i: (0, 0)),
        ],
        out_specs=pl.BlockSpec((BM2, C), lambda i: (i, 0)),
        out_shape=jax.ShapeDtypeStruct((N, C), jnp.float32),
    )(part, xw_aug, b.reshape(1, C))

    return out

# --- scband reference (transcript-rebuilt; emitter-appended) ---
"""Pipeline reference for scband-stand-gcn1-41532333752789 (READ-ONLY COPY).

The authoritative reference and input builder live on the scoring server;
editing this copy changes nothing except your own understanding.
"""

import jax, jax.numpy as jnp
import numpy as np

N = 10000
E = 320000
NFEAT = 128
NCLASS = 64


def setup_inputs(seed: int = 0) -> dict:
    key = jax.random.key(seed)
    k1, k2, k3 = jax.random.split(key, 3)
    x = jax.random.normal(k1, (N, NFEAT), dtype=jnp.float32)
    adj = jax.random.randint(k2, (2, E), 0, N, dtype=jnp.int32)
    # glorot init for linear weight [out, in]
    a = float(np.sqrt(6.0 / (NFEAT + NCLASS)))
    W = jax.random.uniform(k3, (NCLASS, NFEAT), minval=-a, maxval=a, dtype=jnp.float32)
    b = jnp.zeros((NCLASS,), dtype=jnp.float32)
    return {"x": x, "adj": adj, "W": W, "b": b}


def reference(x, adj, W, b):
    row, col = adj[0], adj[1]
    # linear: x @ W^T (torch.nn.Linear, bias=False)
    xw = x @ W.T
    # gcn_norm with add_remaining_self_loops (edge_weight=None -> ones)
    ew = jnp.ones((E,), dtype=jnp.float32)
    # add_remaining_self_loops: drop existing self loops (zero their weight,
    # which is exact since fill_value == 1 == existing loop weight when
    # edge_weight is None), then append one self loop per node with weight 1
    self_mask = (row == col)
    ew = jnp.where(self_mask, jnp.zeros_like(ew), ew)
    loop = jnp.arange(N, dtype=row.dtype)
    row_f = jnp.concatenate([row, loop])
    col_f = jnp.concatenate([col, loop])
    ew_f = jnp.concatenate([ew, jnp.ones((N,), dtype=jnp.float32)])
    # deg = scatter_add(edge_weight, col)
    deg = jnp.zeros((N,), dtype=jnp.float32).at[col_f].add(ew_f)
    deg_inv_sqrt = jnp.where(deg > 0, deg ** -0.5, jnp.zeros_like(deg))
    # NOTE: original code uses deg_inv_sqrt[col] twice (faithful translation)
    norm = deg_inv_sqrt[col_f] * ew_f * deg_inv_sqrt[col_f]
    # message: x_j * norm ; aggregate: scatter-add at dst (col)
    msg = xw[row_f] * norm[:, None]
    out = jnp.zeros((N, NCLASS), dtype=jnp.float32).at[col_f].add(msg)
    out = out + b
    return out

if __name__ == "__main__":
    import jax
    _d = setup_inputs()
    print(jax.jit(kernel)(*tuple(_d.values())))

</pallas_src>

<mosaic_0001>
#map = affine_map<(d0, d1) -> (0, 0)>
#map1 = affine_map<(d0, d1) -> (0)>
#map2 = affine_map<(d0, d1) -> (0, 0, 0)>
module attributes {stable_mosaic.version = 14 : i64} {
  func.func @_sc_body(%arg0: i32, %arg1: i32, %arg2: memref<10016x128xf32, #tpu.memory_space<hbm>>, %arg3: memref<320000xi32, #tpu.memory_space<hbm>>, %arg4: memref<2x10240x128xf32, #tpu.memory_space<hbm>>, %arg5: memref<10000xi32, #tpu.memory_space<vmem>>, %arg6: memref<80xi32, #tpu.memory_space<vmem>>, %arg7: memref<80xi32, #tpu.memory_space<vmem>>, %arg8: memref<80x128xf32, #tpu.memory_space<vmem>>, %arg9: memref<80xi32, #tpu.memory_space<vmem>>, %arg10: memref<80xi32, #tpu.memory_space<vmem>>, %arg11: memref<80x128xf32, #tpu.memory_space<vmem>>, %arg12: memref<80xi32, #tpu.memory_space<vmem>>, %arg13: memref<80xi32, #tpu.memory_space<vmem>>, %arg14: memref<80x128xf32, #tpu.memory_space<vmem>>, %arg15: memref<10240x128xf32, #tpu.memory_space<vmem_shared>>, %arg16: memref<!tpu.dma_semaphore, #tpu.memory_space<semaphore_mem>>, %arg17: memref<!tpu.dma_semaphore, #tpu.memory_space<semaphore_mem>>, %arg18: memref<!tpu.dma_semaphore, #tpu.memory_space<semaphore_mem>>, %arg19: memref<!tpu.dma_semaphore, #tpu.memory_space<semaphore_mem>>, %arg20: memref<!tpu.dma_semaphore, #tpu.memory_space<semaphore_mem>>) attributes {dimension_semantics = [#tpu.dimension_semantics<core_parallel>, #tpu.dimension_semantics<subcore_parallel>], iteration_bounds = array<i64: 2, 16>, scalar_prefetch = 0 : i64, scratch_operands = 16 : i64, tpu.core_type = #tpu.core_type<sc_vector_subcore>, window_params = [{transform_indices = #map}, {transform_indices = #map1}, {transform_indices = #map2}]} {
    %mul3A = arith.constant 16 : i32
    %mul3A_0 = arith.muli %arg0, %mul3A : i32
    %add3A = arith.addi %mul3A_0, %arg1 : i32
    %mul3A_1 = arith.constant 640 : i32
    %mul3A_2 = arith.muli %arg1, %mul3A_1 : i32
    %mul3A_3 = arith.constant 10000 : i32
    %mul3A_4 = arith.muli %add3A, %mul3A_3 : i32
    %dma_start3A = tpu.memref_slice %arg3[%mul3A_4] : memref<320000xi32, #tpu.memory_space<hbm>> -> memref<10000xi32, #tpu.memory_space<hbm>>
    %dma_start3A_5 = tpu.memref_slice %arg3[%mul3A_4] : memref<320000xi32, #tpu.memory_space<hbm>> -> memref<10000xi32, #tpu.memory_space<hbm>>
    tpu.enqueue_dma source(%dma_start3A_5 : memref<10000xi32, #tpu.memory_space<hbm>>) target(%arg5 : memref<10000xi32, #tpu.memory_space<vmem>>) target_semaphore(%arg16 : memref<!tpu.dma_semaphore, #tpu.memory_space<semaphore_mem>>)
    %scan3A = arith.constant 0 : i32
    %scan3A_6 = arith.constant 0 : i32
    %scan3A_7 = arith.constant 80 : i32
    %scan3A_8 = arith.addi %scan3A_6, %scan3A_7 : i32
    %scan3A_9 = arith.constant 1 : i32
    scf.for %scan3A_330 = %scan3A_6 to %scan3A_8 step %scan3A_9  : i32 {
      %broadcast_in_dim3A_331 = arith.constant 0.000000e+00 : f32
      %broadcast_in_dim3A_332 = vector.broadcast %broadcast_in_dim3A_331 : f32 to vector<16xf32>
      %swap3A_333 = arith.index_cast %scan3A_330 : i32 to index
      %swap3A_334 = arith.constant 0 : index
      %swap3A_335 = tpu.vector_load %arg8[%swap3A_333, %swap3A_334] {strides = array<i32>} : memref<80x128xf32, #tpu.memory_space<vmem>>, vector<1x16xf32>,
      %swap3A_336 = vector.shape_cast %swap3A_335 : vector<1x16xf32> to vector<16xf32>
      %swap3A_337 = vector.shape_cast %broadcast_in_dim3A_332 : vector<16xf32> to vector<1x16xf32>
      tpu.vector_store %arg8[%swap3A_333, %swap3A_334], %swap3A_337 {strides = array<i32>} : memref<80x128xf32, #tpu.memory_space<vmem>>, vector<1x16xf32>,
      %broadcast_in_dim3A_338 = arith.constant 0.000000e+00 : f32
      %broadcast_in_dim3A_339 = vector.broadcast %broadcast_in_dim3A_338 : f32 to vector<16xf32>
      %swap3A_340 = arith.index_cast %scan3A_330 : i32 to index
      %swap3A_341 = arith.constant 16 : index
      %swap3A_342 = tpu.vector_load %arg8[%swap3A_340, %swap3A_341] {strides = array<i32>} : memref<80x128xf32, #tpu.memory_space<vmem>>, vector<1x16xf32>,
      %swap3A_343 = vector.shape_cast %swap3A_342 : vector<1x16xf32> to vector<16xf32>
      %swap3A_344 = vector.shape_cast %broadcast_in_dim3A_339 : vector<16xf32> to vector<1x16xf32>
      tpu.vector_store %arg8[%swap3A_340, %swap3A_341], %swap3A_344 {strides = array<i32>} : memref<80x128xf32, #tpu.memory_space<vmem>>, vector<1x16xf32>,
      %broadcast_in_dim3A_345 = arith.constant 0.000000e+00 : f32
      %broadcast_in_dim3A_346 = vector.broadcast %broadcast_in_dim3A_345 : f32 to vector<16xf32>
      %swap3A_347 = arith.index_cast %scan3A_330 : i32 to index
      %swap3A_348 = arith.constant 32 : index
      %swap3A_349 = tpu.vector_load %arg8[%swap3A_347, %swap3A_348] {strides = array<i32>} : memref<80x128xf32, #tpu.memory_space<vmem>>, vector<1x16xf32>,
      %swap3A_350 = vector.shape_cast %swap3A_349 : vector<1x16xf32> to vector<16xf32>
      %swap3A_351 = vector.shape_cast %broadcast_in_dim3A_346 : vector<16xf32> to vector<1x16xf32>
      tpu.vector_store %arg8[%swap3A_347, %swap3A_348], %swap3A_351 {strides = array<i32>} : memref<80x128xf32, #tpu.memory_space<vmem>>, vector<1x16xf32>,
      %broadcast_in_dim3A_352 = arith.constant 0.000000e+00 : f32
      %broadcast_in_dim3A_353 = vector.broadcast %broadcast_in_dim3A_352 : f32 to vector<16xf32>
      %swap3A_354 = arith.index_cast %scan3A_330 : i32 to index
      %swap3A_355 = arith.constant 48 : index
      %swap3A_356 = tpu.vector_load %arg8[%swap3A_354, %swap3A_355] {strides = array<i32>} : memref<80x128xf32, #tpu.memory_space<vmem>>, vector<1x16xf32>,
      %swap3A_357 = vector.shape_cast %swap3A_356 : vector<1x16xf32> to vector<16xf32>
      %swap3A_358 = vector.shape_cast %broadcast_in_dim3A_353 : vector<16xf32> to vector<1x16xf32>
      tpu.vector_store %arg8[%swap3A_354, %swap3A_355], %swap3A_358 {strides = array<i32>} : memref<80x128xf32, #tpu.memory_space<vmem>>, vector<1x16xf32>,
      %broadcast_in_dim3A_359 = arith.constant 0.000000e+00 : f32
      %broadcast_in_dim3A_360 = vector.broadcast %broadcast_in_dim3A_359 : f32 to vector<16xf32>
      %swap3A_361 = arith.index_cast %scan3A_330 : i32 to index
      %swap3A_362 = arith.constant 64 : index
      %swap3A_363 = tpu.vector_load %arg8[%swap3A_361, %swap3A_362] {strides = array<i32>} : memref<80x128xf32, #tpu.memory_space<vmem>>, vector<1x16xf32>,
      %swap3A_364 = vector.shape_cast %swap3A_363 : vector<1x16xf32> to vector<16xf32>
      %swap3A_365 = vector.shape_cast %broadcast_in_dim3A_360 : vector<16xf32> to vector<1x16xf32>
      tpu.vector_store %arg8[%swap3A_361, %swap3A_362], %swap3A_365 {strides = array<i32>} : memref<80x128xf32, #tpu.memory_space<vmem>>, vector<1x16xf32>,
      %broadcast_in_dim3A_366 = arith.constant 0.000000e+00 : f32
      %broadcast_in_dim3A_367 = vector.broadcast %broadcast_in_dim3A_366 : f32 to vector<16xf32>
      %swap3A_368 = arith.index_cast %scan3A_330 : i32 to index
      %swap3A_369 = arith.constant 80 : index
      %swap3A_370 = tpu.vector_load %arg8[%swap3A_368, %swap3A_369] {strides = array<i32>} : memref<80x128xf32, #tpu.memory_space<vmem>>, vector<1x16xf32>,
      %swap3A_371 = vector.shape_cast %swap3A_370 : vector<1x16xf32> to vector<16xf32>
      %swap3A_372 = vector.shape_cast %broadcast_in_dim3A_367 : vector<16xf32> to vector<1x16xf32>
      tpu.vector_store %arg8[%swap3A_368, %swap3A_369], %swap3A_372 {strides = array<i32>} : memref<80x128xf32, #tpu.memory_space<vmem>>, vector<1x16xf32>,
      %broadcast_in_dim3A_373 = arith.constant 0.000000e+00 : f32
      %broadcast_in_dim3A_374 = vector.broadcast %broadcast_in_dim3A_373 : f32 to vector<16xf32>
      %swap3A_375 = arith.index_cast %scan3A_330 : i32 to index
      %swap3A_376 = arith.constant 96 : index
      %swap3A_377 = tpu.vector_load %arg8[%swap3A_375, %swap3A_376] {strides = array<i32>} : memref<80x128xf32, #tpu.memory_space<vmem>>, vector<1x16xf32>,
      %swap3A_378 = vector.shape_cast %swap3A_377 : vector<1x16xf32> to vector<16xf32>
      %swap3A_379 = vector.shape_cast %broadcast_in_dim3A_374 : vector<16xf32> to vector<1x16xf32>
      tpu.vector_store %arg8[%swap3A_375, %swap3A_376], %swap3A_379 {strides = array<i32>} : memref<80x128xf32, #tpu.memory_space<vmem>>, vector<1x16xf32>,
      %broadcast_in_dim3A_380 = arith.constant 0.000000e+00 : f32
      %broadcast_in_dim3A_381 = vector.broadcast %broadcast_in_dim3A_380 : f32 to vector<16xf32>
      %swap3A_382 = arith.index_cast %scan3A_330 : i32 to index
      %swap3A_383 = arith.constant 112 : index
      %swap3A_384 = tpu.vector_load %arg8[%swap3A_382, %swap3A_383] {strides = array<i32>} : memref<80x128xf32, #tpu.memory_space<vmem>>, vector<1x16xf32>,
      %swap3A_385 = vector.shape_cast %swap3A_384 : vector<1x16xf32> to vector<16xf32>
      %swap3A_386 = vector.shape_cast %broadcast_in_dim3A_381 : vector<16xf32> to vector<1x16xf32>
      tpu.vector_store %arg8[%swap3A_382, %swap3A_383], %swap3A_386 {strides = array<i32>} : memref<80x128xf32, #tpu.memory_space<vmem>>, vector<1x16xf32>,
    }
    %scan3A_10 = arith.constant 80 : i32
    %add3A_11 = arith.constant 0 : i32
    %add3A_12 = arith.addi %mul3A_2, %add3A_11 : i32
    %dma_start3A_13 = arith.constant 0 : i32
    %dma_start3A_14 = tpu.memref_slice %arg15[%add3A_12, %dma_start3A_13] : memref<10240x128xf32, #tpu.memory_space<vmem_shared>> -> memref<80x128xf32, #tpu.memory_space<vmem_shared>>
    %dma_start3A_15 = arith.constant 0 : i32
    %dma_start3A_16 = tpu.memref_slice %arg15[%add3A_12, %dma_start3A_15] : memref<10240x128xf32, #tpu.memory_space<vmem_shared>> -> memref<80x128xf32, #tpu.memory_space<vmem_shared>>
    tpu.enqueue_dma source(%arg8 : memref<80x128xf32, #tpu.memory_space<vmem>>) target(%dma_start3A_16 : memref<80x128xf32, #tpu.memory_space<vmem_shared>>) target_semaphore(%arg19 : memref<!tpu.dma_semaphore, #tpu.memory_space<semaphore_mem>>)
    %add3A_17 = arith.constant 80 : i32
    %add3A_18 = arith.addi %mul3A_2, %add3A_17 : i32
    %dma_start3A_19 = arith.constant 0 : i32
    %dma_start3A_20 = tpu.memref_slice %arg15[%add3A_18, %dma_start3A_19] : memref<10240x128xf32, #tpu.memory_space<vmem_shared>> -> memref<80x128xf32, #tpu.memory_space<vmem_shared>>
    %dma_start3A_21 = arith.constant 0 : i32
    %dma_start3A_22 = tpu.memref_slice %arg15[%add3A_18, %dma_start3A_21] : memref<10240x128xf32, #tpu.memory_space<vmem_shared>> -> memref<80x128xf32, #tpu.memory_space<vmem_shared>>
    tpu.enqueue_dma source(%arg8 : memref<80x128xf32, #tpu.memory_space<vmem>>) target(%dma_start3A_22 : memref<80x128xf32, #tpu.memory_space<vmem_shared>>) target_semaphore(%arg20 : memref<!tpu.dma_semaphore, #tpu.memory_space<semaphore_mem>>)
    %add3A_23 = arith.constant 0 : i32
    %add3A_24 = arith.addi %mul3A_2, %add3A_23 : i32
    %dma_wait3A = arith.constant 0 : i32
    %dma_wait3A_25 = tpu.memref_slice %arg15[%add3A_24, %dma_wait3A] : memref<10240x128xf32, #tpu.memory_space<vmem_shared>> -> memref<80x128xf32, #tpu.memory_space<vmem_shared>>
    %dma_wait3A_26 = arith.constant 0 : i32
    %dma_wait3A_27 = tpu.memref_slice %arg15[%add3A_24, %dma_wait3A_26] : memref<10240x128xf32, #tpu.memory_space<vmem_shared>> -> memref<80x128xf32, #tpu.memory_space<vmem_shared>>
    tpu.wait_dma2 semaphore(%arg19 : memref<!tpu.dma_semaphore, #tpu.memory_space<semaphore_mem>>) src(%arg8 : memref<80x128xf32, #tpu.memory_space<vmem>>) dst(%dma_wait3A_27 : memref<80x128xf32, #tpu.memory_space<vmem_shared>>)
    %add3A_28 = arith.constant 160 : i32
    %add3A_29 = arith.addi %mul3A_2, %add3A_28 : i32
    %dma_start3A_30 = arith.constant 0 : i32
    %dma_start3A_31 = tpu.memref_slice %arg15[%add3A_29, %dma_start3A_30] : memref<10240x128xf32, #tpu.memory_space<vmem_shared>> -> memref<80x128xf32, #tpu.memory_space<vmem_shared>>
    %dma_start3A_32 = arith.constant 0 : i32
    %dma_start3A_33 = tpu.memref_slice %arg15[%add3A_29, %dma_start3A_32] : memref<10240x128xf32, #tpu.memory_space<vmem_shared>> -> memref<80x128xf32, #tpu.memory_space<vmem_shared>>
    tpu.enqueue_dma source(%arg8 : memref<80x128xf32, #tpu.memory_space<vmem>>) target(%dma_start3A_33 : memref<80x128xf32, #tpu.memory_space<vmem_shared>>) target_semaphore(%arg19 : memref<!tpu.dma_semaphore, #tpu.memory_space<semaphore_mem>>)
    %add3A_34 = arith.constant 80 : i32
    %add3A_35 = arith.addi %mul3A_2, %add3A_34 : i32
    %dma_wait3A_36 = arith.constant 0 : i32
    %dma_wait3A_37 = tpu.memref_slice %arg15[%add3A_35, %dma_wait3A_36] : memref<10240x128xf32, #tpu.memory_space<vmem_shared>> -> memref<80x128xf32, #tpu.memory_space<vmem_shared>>
    %dma_wait3A_38 = arith.constant 0 : i32
    %dma_wait3A_39 = tpu.memref_slice %arg15[%add3A_35, %dma_wait3A_38] : memref<10240x128xf32, #tpu.memory_space<vmem_shared>> -> memref<80x128xf32, #tpu.memory_space<vmem_shared>>
    tpu.wait_dma2 semaphore(%arg20 : memref<!tpu.dma_semaphore, #tpu.memory_space<semaphore_mem>>) src(%arg8 : memref<80x128xf32, #tpu.memory_space<vmem>>) dst(%dma_wait3A_39 : memref<80x128xf32, #tpu.memory_space<vmem_shared>>)
    %add3A_40 = arith.constant 240 : i32
    %add3A_41 = arith.addi %mul3A_2, %add3A_40 : i32
    %dma_start3A_42 = arith.constant 0 : i32
    %dma_start3A_43 = tpu.memref_slice %arg15[%add3A_41, %dma_start3A_42] : memref<10240x128xf32, #tpu.memory_space<vmem_shared>> -> memref<80x128xf32, #tpu.memory_space<vmem_shared>>
    %dma_start3A_44 = arith.constant 0 : i32
    %dma_start3A_45 = tpu.memref_slice %arg15[%add3A_41, %dma_start3A_44] : memref<10240x128xf32, #tpu.memory_space<vmem_shared>> -> memref<80x128xf32, #tpu.memory_space<vmem_shared>>
    tpu.enqueue_dma source(%arg8 : memref<80x128xf32, #tpu.memory_space<vmem>>) target(%dma_start3A_45 : memref<80x128xf32, #tpu.memory_space<vmem_shared>>) target_semaphore(%arg20 : memref<!tpu.dma_semaphore, #tpu.memory_space<semaphore_mem>>)
    %add3A_46 = arith.constant 160 : i32
    %add3A_47 = arith.addi %mul3A_2, %add3A_46 : i32
    %dma_wait3A_48 = arith.constant 0 : i32
    %dma_wait3A_49 = tpu.memref_slice %arg15[%add3A_47, %dma_wait3A_48] : memref<10240x128xf32, #tpu.memory_space<vmem_shared>> -> memref<80x128xf32, #tpu.memory_space<vmem_shared>>
    %dma_wait3A_50 = arith.constant 0 : i32
    %dma_wait3A_51 = tpu.memref_slice %arg15[%add3A_47, %dma_wait3A_50] : memref<10240x128xf32, #tpu.memory_space<vmem_shared>> -> memref<80x128xf32, #tpu.memory_space<vmem_shared>>
    tpu.wait_dma2 semaphore(%arg19 : memref<!tpu.dma_semaphore, #tpu.memory_space<semaphore_mem>>) src(%arg8 : memref<80x128xf32, #tpu.memory_space<vmem>>) dst(%dma_wait3A_51 : memref<80x128xf32, #tpu.memory_space<vmem_shared>>)
    %add3A_52 = arith.constant 320 : i32
    %add3A_53 = arith.addi %mul3A_2, %add3A_52 : i32
    %dma_start3A_54 = arith.constant 0 : i32
    %dma_start3A_55 = tpu.memref_slice %arg15[%add3A_53, %dma_start3A_54] : memref<10240x128xf32, #tpu.memory_space<vmem_shared>> -> memref<80x128xf32, #tpu.memory_space<vmem_shared>>
    %dma_start3A_56 = arith.constant 0 : i32
    %dma_start3A_57 = tpu.memref_slice %arg15[%add3A_53, %dma_start3A_56] : memref<10240x128xf32, #tpu.memory_space<vmem_shared>> -> memref<80x128xf32, #tpu.memory_space<vmem_shared>>
    tpu.enqueue_dma source(%arg8 : memref<80x128xf32, #tpu.memory_space<vmem>>) target(%dma_start3A_57 : memref<80x128xf32, #tpu.memory_space<vmem_shared>>) target_semaphore(%arg19 : memref<!tpu.dma_semaphore, #tpu.memory_space<semaphore_mem>>)
    %add3A_58 = arith.constant 240 : i32
    %add3A_59 = arith.addi %mul3A_2, %add3A_58 : i32
    %dma_wait3A_60 = arith.constant 0 : i32
    %dma_wait3A_61 = tpu.memref_slice %arg15[%add3A_59, %dma_wait3A_60] : memref<10240x128xf32, #tpu.memory_space<vmem_shared>> -> memref<80x128xf32, #tpu.memory_space<vmem_shared>>
    %dma_wait3A_62 = arith.constant 0 : i32
    %dma_wait3A_63 = tpu.memref_slice %arg15[%add3A_59, %dma_wait3A_62] : memref<10240x128xf32, #tpu.memory_space<vmem_shared>> -> memref<80x128xf32, #tpu.memory_space<vmem_shared>>
    tpu.wait_dma2 semaphore(%arg20 : memref<!tpu.dma_semaphore, #tpu.memory_space<semaphore_mem>>) src(%arg8 : memref<80x128xf32, #tpu.memory_space<vmem>>) dst(%dma_wait3A_63 : memref<80x128xf32, #tpu.memory_space<vmem_shared>>)
    %add3A_64 = arith.constant 400 : i32
    %add3A_65 = arith.addi %mul3A_2, %add3A_64 : i32
    %dma_start3A_66 = arith.constant 0 : i32
    %dma_start3A_67 = tpu.memref_slice %arg15[%add3A_65, %dma_start3A_66] : memref<10240x128xf32, #tpu.memory_space<vmem_shared>> -> memref<80x128xf32, #tpu.memory_space<vmem_shared>>
    %dma_start3A_68 = arith.constant 0 : i32
    %dma_start3A_69 = tpu.memref_slice %arg15[%add3A_65, %dma_start3A_68] : memref<10240x128xf32, #tpu.memory_space<vmem_shared>> -> memref<80x128xf32, #tpu.memory_space<vmem_shared>>
    tpu.enqueue_dma source(%arg8 : memref<80x128xf32, #tpu.memory_space<vmem>>) target(%dma_start3A_69 : memref<80x128xf32, #tpu.memory_space<vmem_shared>>) target_semaphore(%arg20 : memref<!tpu.dma_semaphore, #tpu.memory_space<semaphore_mem>>)
    %add3A_70 = arith.constant 320 : i32
    %add3A_71 = arith.addi %mul3A_2, %add3A_70 : i32
    %dma_wait3A_72 = arith.constant 0 : i32
    %dma_wait3A_73 = tpu.memref_slice %arg15[%add3A_71, %dma_wait3A_72] : memref<10240x128xf32, #tpu.memory_space<vmem_shared>> -> memref<80x128xf32, #tpu.memory_space<vmem_shared>>
    %dma_wait3A_74 = arith.constant 0 : i32
    %dma_wait3A_75 = tpu.memref_slice %arg15[%add3A_71, %dma_wait3A_74] : memref<10240x128xf32, #tpu.memory_space<vmem_shared>> -> memref<80x128xf32, #tpu.memory_space<vmem_shared>>
    tpu.wait_dma2 semaphore(%arg19 : memref<!tpu.dma_semaphore, #tpu.memory_space<semaphore_mem>>) src(%arg8 : memref<80x128xf32, #tpu.memory_space<vmem>>) dst(%dma_wait3A_75 : memref<80x128xf32, #tpu.memory_space<vmem_shared>>)
    %add3A_76 = arith.constant 480 : i32
    %add3A_77 = arith.addi %mul3A_2, %add3A_76 : i32
    %dma_start3A_78 = arith.constant 0 : i32
    %dma_start3A_79 = tpu.memref_slice %arg15[%add3A_77, %dma_start3A_78] : memref<10240x128xf32, #tpu.memory_space<vmem_shared>> -> memref<80x128xf32, #tpu.memory_space<vmem_shared>>
    %dma_start3A_80 = arith.constant 0 : i32
    %dma_start3A_81 = tpu.memref_slice %arg15[%add3A_77, %dma_start3A_80] : memref<10240x128xf32, #tpu.memory_space<vmem_shared>> -> memref<80x128xf32, #tpu.memory_space<vmem_shared>>
    tpu.enqueue_dma source(%arg8 : memref<80x128xf32, #tpu.memory_space<vmem>>) target(%dma_start3A_81 : memref<80x128xf32, #tpu.memory_space<vmem_shared>>) target_semaphore(%arg19 : memref<!tpu.dma_semaphore, #tpu.memory_space<semaphore_mem>>)
    %add3A_82 = arith.constant 400 : i32
    %add3A_83 = arith.addi %mul3A_2, %add3A_82 : i32
    %dma_wait3A_84 = arith.constant 0 : i32
    %dma_wait3A_85 = tpu.memref_slice %arg15[%add3A_83, %dma_wait3A_84] : memref<10240x128xf32, #tpu.memory_space<vmem_shared>> -> memref<80x128xf32, #tpu.memory_space<vmem_shared>>
    %dma_wait3A_86 = arith.constant 0 : i32
    %dma_wait3A_87 = tpu.memref_slice %arg15[%add3A_83, %dma_wait3A_86] : memref<10240x128xf32, #tpu.memory_space<vmem_shared>> -> memref<80x128xf32, #tpu.memory_space<vmem_shared>>
    tpu.wait_dma2 semaphore(%arg20 : memref<!tpu.dma_semaphore, #tpu.memory_space<semaphore_mem>>) src(%arg8 : memref<80x128xf32, #tpu.memory_space<vmem>>) dst(%dma_wait3A_87 : memref<80x128xf32, #tpu.memory_space<vmem_shared>>)
    %add3A_88 = arith.constant 560 : i32
    %add3A_89 = arith.addi %mul3A_2, %add3A_88 : i32
    %dma_start3A_90 = arith.constant 0 : i32
    %dma_start3A_91 = tpu.memref_slice %arg15[%add3A_89, %dma_start3A_90] : memref<10240x128xf32, #tpu.memory_space<vmem_shared>> -> memref<80x128xf32, #tpu.memory_space<vmem_shared>>
    %dma_start3A_92 = arith.constant 0 : i32
    %dma_start3A_93 = tpu.memref_slice %arg15[%add3A_89, %dma_start3A_92] : memref<10240x128xf32, #tpu.memory_space<vmem_shared>> -> memref<80x128xf32, #tpu.memory_space<vmem_shared>>
    tpu.enqueue_dma source(%arg8 : memref<80x128xf32, #tpu.memory_space<vmem>>) target(%dma_start3A_93 : memref<80x128xf32, #tpu.memory_space<vmem_shared>>) target_semaphore(%arg20 : memref<!tpu.dma_semaphore, #tpu.memory_space<semaphore_mem>>)
    %add3A_94 = arith.constant 480 : i32
    %add3A_95 = arith.addi %mul3A_2, %add3A_94 : i32
    %dma_wait3A_96 = arith.constant 0 : i32
    %dma_wait3A_97 = tpu.memref_slice %arg15[%add3A_95, %dma_wait3A_96] : memref<10240x128xf32, #tpu.memory_space<vmem_shared>> -> memref<80x128xf32, #tpu.memory_space<vmem_shared>>
    %dma_wait3A_98 = arith.constant 0 : i32
    %dma_wait3A_99 = tpu.memref_slice %arg15[%add3A_95, %dma_wait3A_98] : memref<10240x128xf32, #tpu.memory_space<vmem_shared>> -> memref<80x128xf32, #tpu.memory_space<vmem_shared>>
    tpu.wait_dma2 semaphore(%arg19 : memref<!tpu.dma_semaphore, #tpu.memory_space<semaphore_mem>>) src(%arg8 : memref<80x128xf32, #tpu.memory_space<vmem>>) dst(%dma_wait3A_99 : memref<80x128xf32, #tpu.memory_space<vmem_shared>>)
    %add3A_100 = arith.constant 560 : i32
    %add3A_101 = arith.addi %mul3A_2, %add3A_100 : i32
    %dma_wait3A_102 = arith.constant 0 : i32
    %dma_wait3A_103 = tpu.memref_slice %arg15[%add3A_101, %dma_wait3A_102] : memref<10240x128xf32, #tpu.memory_space<vmem_shared>> -> memref<80x128xf32, #tpu.memory_space<vmem_shared>>
    %dma_wait3A_104 = arith.constant 0 : i32
    %dma_wait3A_105 = tpu.memref_slice %arg15[%add3A_101, %dma_wait3A_104] : memref<10240x128xf32, #tpu.memory_space<vmem_shared>> -> memref<80x128xf32, #tpu.memory_space<vmem_shared>>
    tpu.wait_dma2 semaphore(%arg20 : memref<!tpu.dma_semaphore, #tpu.memory_space<semaphore_mem>>) src(%arg8 : memref<80x128xf32, #tpu.memory_space<vmem>>) dst(%dma_wait3A_105 : memref<80x128xf32, #tpu.memory_space<vmem_shared>>)
    %dma_wait3A_106 = tpu.memref_slice %arg3[%mul3A_4] : memref<320000xi32, #tpu.memory_space<hbm>> -> memref<10000xi32, #tpu.memory_space<hbm>>
    %dma_wait3A_107 = tpu.memref_slice %arg3[%mul3A_4] : memref<320000xi32, #tpu.memory_space<hbm>> -> memref<10000xi32, #tpu.memory_space<hbm>>
    tpu.wait_dma2 semaphore(%arg16 : memref<!tpu.dma_semaphore, #tpu.memory_space<semaphore_mem>>) src(%dma_wait3A_107 : memref<10000xi32, #tpu.memory_space<hbm>>) dst(%arg5 : memref<10000xi32, #tpu.memory_space<vmem>>)
    %barrier3A = arith.constant 0 : index
    tpu.barrier barrier_id(%barrier3A)
    %get3A = arith.constant 0 : index
    %get3A_108 = tpu.vector_load %arg5[%get3A] {strides = array<i32>} : memref<10000xi32, #tpu.memory_space<vmem>>, vector<16xi32>,
    %get3A_109 = vector.shape_cast %get3A_108 : vector<16xi32> to vector<16xi32>
    %broadcast_in_dim3A = arith.constant 65535 : i32
    %broadcast_in_dim3A_110 = vector.broadcast %broadcast_in_dim3A : i32 to vector<16xi32>
    %and3A = arith.andi %get3A_109, %broadcast_in_dim3A_110 : vector<16xi32>
    %broadcast_in_dim3A_111 = arith.constant 16 : i32
    %broadcast_in_dim3A_112 = vector.broadcast %broadcast_in_dim3A_111 : i32 to vector<16xi32>
    %shift_right_logical3A = arith.shrui %get3A_109, %broadcast_in_dim3A_112 : vector<16xi32>
    %eq3A = arith.cmpi eq, %and3A, %shift_right_logical3A : vector<16xi32>
    %broadcast_in_dim3A_113 = arith.constant 10000 : i32
    %broadcast_in_dim3A_114 = vector.broadcast %broadcast_in_dim3A_113 : i32 to vector<16xi32>
    %select_n3A = arith.select %eq3A, %broadcast_in_dim3A_114, %and3A : vector<16xi1>, vector<16xi32>
    %swap3A = arith.constant 0 : index
    %swap3A_115 = tpu.vector_load %arg6[%swap3A] {strides = array<i32>} : memref<80xi32, #tpu.memory_space<vmem>>, vector<16xi32>,
    %swap3A_116 = vector.shape_cast %swap3A_115 : vector<16xi32> to vector<16xi32>
    %swap3A_117 = vector.shape_cast %select_n3A : vector<16xi32> to vector<16xi32>
    tpu.vector_store %arg6[%swap3A], %swap3A_117 {strides = array<i32>} : memref<80xi32, #tpu.memory_space<vmem>>, vector<16xi32>,
    %swap3A_118 = arith.constant 0 : index
    %swap3A_119 = tpu.vector_load %arg7[%swap3A_118] {strides = array<i32>} : memref<80xi32, #tpu.memory_space<vmem>>, vector<16xi32>,
    %swap3A_120 = vector.shape_cast %swap3A_119 : vector<16xi32> to vector<16xi32>
    %swap3A_121 = vector.shape_cast %shift_right_logical3A : vector<16xi32> to vector<16xi32>
    tpu.vector_store %arg7[%swap3A_118], %swap3A_121 {strides = array<i32>} : memref<80xi32, #tpu.memory_space<vmem>>, vector<16xi32>,
    %get3A_122 = arith.constant 16 : index
    %get3A_123 = tpu.vector_load %arg5[%get3A_122] {strides = array<i32>} : memref<10000xi32, #tpu.memory_space<vmem>>, vector<16xi32>,
    %get3A_124 = vector.shape_cast %get3A_123 : vector<16xi32> to vector<16xi32>
    %broadcast_in_dim3A_125 = arith.constant 65535 : i32
    %broadcast_in_dim3A_126 = vector.broadcast %broadcast_in_dim3A_125 : i32 to vector<16xi32>
    %and3A_127 = arith.andi %get3A_124, %broadcast_in_dim3A_126 : vector<16xi32>
    %broadcast_in_dim3A_128 = arith.constant 16 : i32
    %broadcast_in_dim3A_129 = vector.broadcast %broadcast_in_dim3A_128 : i32 to vector<16xi32>
    %shift_right_logical3A_130 = arith.shrui %get3A_124, %broadcast_in_dim3A_129 : vector<16xi32>
    %eq3A_131 = arith.cmpi eq, %and3A_127, %shift_right_logical3A_130 : vector<16xi32>
    %broadcast_in_dim3A_132 = arith.constant 10000 : i32
    %broadcast_in_dim3A_133 = vector.broadcast %broadcast_in_dim3A_132 : i32 to vector<16xi32>
    %select_n3A_134 = arith.select %eq3A_131, %broadcast_in_dim3A_133, %and3A_127 : vector<16xi1>, vector<16xi32>
    %swap3A_135 = arith.constant 16 : index
    %swap3A_136 = tpu.vector_load %arg6[%swap3A_135] {strides = array<i32>} : memref<80xi32, #tpu.memory_space<vmem>>, vector<16xi32>,
    %swap3A_137 = vector.shape_cast %swap3A_136 : vector<16xi32> to vector<16xi32>
    %swap3A_138 = vector.shape_cast %select_n3A_134 : vector<16xi32> to vector<16xi32>
    tpu.vector_store %arg6[%swap3A_135], %swap3A_138 {strides = array<i32>} : memref<80xi32, #tpu.memory_space<vmem>>, vector<16xi32>,
    %swap3A_139 = arith.constant 16 : index
    %swap3A_140 = tpu.vector_load %arg7[%swap3A_139] {strides = array<i32>} : memref<80xi32, #tpu.memory_space<vmem>>, vector<16xi32>,
    %swap3A_141 = vector.shape_cast %swap3A_140 : vector<16xi32> to vector<16xi32>
    %swap3A_142 = vector.shape_cast %shift_right_logical3A_130 : vector<16xi32> to vector<16xi32>
    tpu.vector_store %arg7[%swap3A_139], %swap3A_142 {strides = array<i32>} : memref<80xi32, #tpu.memory_space<vmem>>, vector<16xi32>,
    %get3A_143 = arith.constant 32 : index
    %get3A_144 = tpu.vector_load %arg5[%get3A_143] {strides = array<i32>} : memref<10000xi32, #tpu.memory_space<vmem>>, vector<16xi32>,
    %get3A_145 = vector.shape_cast %get3A_144 : vector<16xi32> to vector<16xi32>
    %broadcast_in_dim3A_146 = arith.constant 65535 : i32
    %broadcast_in_dim3A_147 = vector.broadcast %broadcast_in_dim3A_146 : i32 to vector<16xi32>
    %and3A_148 = arith.andi %get3A_145, %broadcast_in_dim3A_147 : vector<16xi32>
    %broadcast_in_dim3A_149 = arith.constant 16 : i32
    %broadcast_in_dim3A_150 = vector.broadcast %broadcast_in_dim3A_149 : i32 to vector<16xi32>
    %shift_right_logical3A_151 = arith.shrui %get3A_145, %broadcast_in_dim3A_150 : vector<16xi32>
    %eq3A_152 = arith.cmpi eq, %and3A_148, %shift_right_logical3A_151 : vector<16xi32>
    %broadcast_in_dim3A_153 = arith.constant 10000 : i32
    %broadcast_in_dim3A_154 = vector.broadcast %broadcast_in_dim3A_153 : i32 to vector<16xi32>
    %select_n3A_155 = arith.select %eq3A_152, %broadcast_in_dim3A_154, %and3A_148 : vector<16xi1>, vector<16xi32>
    %swap3A_156 = arith.constant 32 : index
    %swap3A_157 = tpu.vector_load %arg6[%swap3A_156] {strides = array<i32>} : memref<80xi32, #tpu.memory_space<vmem>>, vector<16xi32>,
    %swap3A_158 = vector.shape_cast %swap3A_157 : vector<16xi32> to vector<16xi32>
    %swap3A_159 = vector.shape_cast %select_n3A_155 : vector<16xi32> to vector<16xi32>
    tpu.vector_store %arg6[%swap3A_156], %swap3A_159 {strides = array<i32>} : memref<80xi32, #tpu.memory_space<vmem>>, vector<16xi32>,
    %swap3A_160 = arith.constant 32 : index
    %swap3A_161 = tpu.vector_load %arg7[%swap3A_160] {strides = array<i32>} : memref<80xi32, #tpu.memory_space<vmem>>, vector<16xi32>,
    %swap3A_162 = vector.shape_cast %swap3A_161 : vector<16xi32> to vector<16xi32>
    %swap3A_163 = vector.shape_cast %shift_right_logical3A_151 : vector<16xi32> to vector<16xi32>
    tpu.vector_store %arg7[%swap3A_160], %swap3A_163 {strides = array<i32>} : memref<80xi32, #tpu.memory_space<vmem>>, vector<16xi32>,
    %get3A_164 = arith.constant 48 : index
    %get3A_165 = tpu.vector_load %arg5[%get3A_164] {strides = array<i32>} : memref<10000xi32, #tpu.memory_space<vmem>>, vector<16xi32>,
    %get3A_166 = vector.shape_cast %get3A_165 : vector<16xi32> to vector<16xi32>
    %broadcast_in_dim3A_167 = arith.constant 65535 : i32
    %broadcast_in_dim3A_168 = vector.broadcast %broadcast_in_dim3A_167 : i32 to vector<16xi32>
    %and3A_169 = arith.andi %get3A_166, %broadcast_in_dim3A_168 : vector<16xi32>
    %broadcast_in_dim3A_170 = arith.constant 16 : i32
    %broadcast_in_dim3A_171 = vector.broadcast %broadcast_in_dim3A_170 : i32 to vector<16xi32>
    %shift_right_logical3A_172 = arith.shrui %get3A_166, %broadcast_in_dim3A_171 : vector<16xi32>
    %eq3A_173 = arith.cmpi eq, %and3A_169, %shift_right_logical3A_172 : vector<16xi32>
    %broadcast_in_dim3A_174 = arith.constant 10000 : i32
    %broadcast_in_dim3A_175 = vector.broadcast %broadcast_in_dim3A_174 : i32 to vector<16xi32>
    %select_n3A_176 = arith.select %eq3A_173, %broadcast_in_dim3A_175, %and3A_169 : vector<16xi1>, vector<16xi32>
    %swap3A_177 = arith.constant 48 : index
    %swap3A_178 = tpu.vector_load %arg6[%swap3A_177] {strides = array<i32>} : memref<80xi32, #tpu.memory_space<vmem>>, vector<16xi32>,
    %swap3A_179 = vector.shape_cast %swap3A_178 : vector<16xi32> to vector<16xi32>
    %swap3A_180 = vector.shape_cast %select_n3A_176 : vector<16xi32> to vector<16xi32>
    tpu.vector_store %arg6[%swap3A_177], %swap3A_180 {strides = array<i32>} : memref<80xi32, #tpu.memory_space<vmem>>, vector<16xi32>,
    %swap3A_181 = arith.constant 48 : index
    %swap3A_182 = tpu.vector_load %arg7[%swap3A_181] {strides = array<i32>} : memref<80xi32, #tpu.memory_space<vmem>>, vector<16xi32>,
    %swap3A_183 = vector.shape_cast %swap3A_182 : vector<16xi32> to vector<16xi32>
    %swap3A_184 = vector.shape_cast %shift_right_logical3A_172 : vector<16xi32> to vector<16xi32>
    tpu.vector_store %arg7[%swap3A_181], %swap3A_184 {strides = array<i32>} : memref<80xi32, #tpu.memory_space<vmem>>, vector<16xi32>,
    %get3A_185 = arith.constant 64 : index
    %get3A_186 = tpu.vector_load %arg5[%get3A_185] {strides = array<i32>} : memref<10000xi32, #tpu.memory_space<vmem>>, vector<16xi32>,
    %get3A_187 = vector.shape_cast %get3A_186 : vector<16xi32> to vector<16xi32>
    %broadcast_in_dim3A_188 = arith.constant 65535 : i32
    %broadcast_in_dim3A_189 = vector.broadcast %broadcast_in_dim3A_188 : i32 to vector<16xi32>
    %and3A_190 = arith.andi %get3A_187, %broadcast_in_dim3A_189 : vector<16xi32>
    %broadcast_in_dim3A_191 = arith.constant 16 : i32
    %broadcast_in_dim3A_192 = vector.broadcast %broadcast_in_dim3A_191 : i32 to vector<16xi32>
    %shift_right_logical3A_193 = arith.shrui %get3A_187, %broadcast_in_dim3A_192 : vector<16xi32>
    %eq3A_194 = arith.cmpi eq, %and3A_190, %shift_right_logical3A_193 : vector<16xi32>
    %broadcast_in_dim3A_195 = arith.constant 10000 : i32
    %broadcast_in_dim3A_196 = vector.broadcast %broadcast_in_dim3A_195 : i32 to vector<16xi32>
    %select_n3A_197 = arith.select %eq3A_194, %broadcast_in_dim3A_196, %and3A_190 : vector<16xi1>, vector<16xi32>
    %swap3A_198 = arith.constant 64 : index
    %swap3A_199 = tpu.vector_load %arg6[%swap3A_198] {strides = array<i32>} : memref<80xi32, #tpu.memory_space<vmem>>, vector<16xi32>,
    %swap3A_200 = vector.shape_cast %swap3A_199 : vector<16xi32> to vector<16xi32>
    %swap3A_201 = vector.shape_cast %select_n3A_197 : vector<16xi32> to vector<16xi32>
    tpu.vector_store %arg6[%swap3A_198], %swap3A_201 {strides = array<i32>} : memref<80xi32, #tpu.memory_space<vmem>>, vector<16xi32>,
    %swap3A_202 = arith.constant 64 : index
    %swap3A_203 = tpu.vector_load %arg7[%swap3A_202] {strides = array<i32>} : memref<80xi32, #tpu.memory_space<vmem>>, vector<16xi32>,
    %swap3A_204 = vector.shape_cast %swap3A_203 : vector<16xi32> to vector<16xi32>
    %swap3A_205 = vector.shape_cast %shift_right_logical3A_193 : vector<16xi32> to vector<16xi32>
    tpu.vector_store %arg7[%swap3A_202], %swap3A_205 {strides = array<i32>} : memref<80xi32, #tpu.memory_space<vmem>>, vector<16xi32>,
    %dma_start3A_206 = arith.constant 0 : i32
    %dma_start3A_207 = arith.constant 0 : i32
    %dma_start3A_208 = tpu.memref_slice %arg2[%dma_start3A_206, %dma_start3A_207] : memref<10016x128xf32, #tpu.memory_space<hbm>> -> memref<10016x128xf32, #tpu.memory_space<hbm>>
    tpu.enqueue_indirect_dma source(%dma_start3A_208 : memref<10016x128xf32, #tpu.memory_space<hbm>>) target(%arg8 : memref<80x128xf32, #tpu.memory_space<vmem>>) offsets(%arg6 : memref<80xi32, #tpu.memory_space<vmem>>) semaphore(%arg16 : memref<!tpu.dma_semaphore, #tpu.memory_space<semaphore_mem>>)
    %get3A_209 = arith.constant 80 : index
    %get3A_210 = tpu.vector_load %arg5[%get3A_209] {strides = array<i32>} : memref<10000xi32, #tpu.memory_space<vmem>>, vector<16xi32>,
    %get3A_211 = vector.shape_cast %get3A_210 : vector<16xi32> to vector<16xi32>
    %broadcast_in_dim3A_212 = arith.constant 65535 : i32
    %broadcast_in_dim3A_213 = vector.broadcast %broadcast_in_dim3A_212 : i32 to vector<16xi32>
    %and3A_214 = arith.andi %get3A_211, %broadcast_in_dim3A_213 : vector<16xi32>
    %broadcast_in_dim3A_215 = arith.constant 16 : i32
    %broadcast_in_dim3A_216 = vector.broadcast %broadcast_in_dim3A_215 : i32 to vector<16xi32>
    %shift_right_logical3A_217 = arith.shrui %get3A_211, %broadcast_in_dim3A_216 : vector<16xi32>
    %eq3A_218 = arith.cmpi eq, %and3A_214, %shift_right_logical3A_217 : vector<16xi32>
    %broadcast_in_dim3A_219 = arith.constant 10000 : i32
    %broadcast_in_dim3A_220 = vector.broadcast %broadcast_in_dim3A_219 : i32 to vector<16xi32>
    %select_n3A_221 = arith.select %eq3A_218, %broadcast_in_dim3A_220, %and3A_214 : vector<16xi1>, vector<16xi32>
    %swap3A_222 = arith.constant 0 : index
    %swap3A_223 = tpu.vector_load %arg9[%swap3A_222] {strides = array<i32>} : memref<80xi32, #tpu.memory_space<vmem>>, vector<16xi32>,
    %swap3A_224 = vector.shape_cast %swap3A_223 : vector<16xi32> to vector<16xi32>
    %swap3A_225 = vector.shape_cast %select_n3A_221 : vector<16xi32> to vector<16xi32>
    tpu.vector_store %arg9[%swap3A_222], %swap3A_225 {strides = array<i32>} : memref<80xi32, #tpu.memory_space<vmem>>, vector<16xi32>,
    %swap3A_226 = arith.constant 0 : index
    %swap3A_227 = tpu.vector_load %arg10[%swap3A_226] {strides = array<i32>} : memref<80xi32, #tpu.memory_space<vmem>>, vector<16xi32>,
    %swap3A_228 = vector.shape_cast %swap3A_227 : vector<16xi32> to vector<16xi32>
    %swap3A_229 = vector.shape_cast %shift_right_logical3A_217 : vector<16xi32> to vector<16xi32>
    tpu.vector_store %arg10[%swap3A_226], %swap3A_229 {strides = array<i32>} : memref<80xi32, #tpu.memory_space<vmem>>, vector<16xi32>,
    %get3A_230 = arith.constant 96 : index
    %get3A_231 = tpu.vector_load %arg5[%get3A_230] {strides = array<i32>} : memref<10000xi32, #tpu.memory_space<vmem>>, vector<16xi32>,
    %get3A_232 = vector.shape_cast %get3A_231 : vector<16xi32> to vector<16xi32>
    %broadcast_in_dim3A_233 = arith.constant 65535 : i32
    %broadcast_in_dim3A_234 = vector.broadcast %broadcast_in_dim3A_233 : i32 to vector<16xi32>
    %and3A_235 = arith.andi %get3A_232, %broadcast_in_dim3A_234 : vector<16xi32>
    %broadcast_in_dim3A_236 = arith.constant 16 : i32
    %broadcast_in_dim3A_237 = vector.broadcast %broadcast_in_dim3A_236 : i32 to vector<16xi32>
    %shift_right_logical3A_238 = arith.shrui %get3A_232, %broadcast_in_dim3A_237 : vector<16xi32>
    %eq3A_239 = arith.cmpi eq, %and3A_235, %shift_right_logical3A_238 : vector<16xi32>
    %broadcast_in_dim3A_240 = arith.constant 10000 : i32
    %broadcast_in_dim3A_241 = vector.broadcast %broadcast_in_dim3A_240 : i32 to vector<16xi32>
    %select_n3A_242 = arith.select %eq3A_239, %broadcast_in_dim3A_241, %and3A_235 : vector<16xi1>, vector<16xi32>
    %swap3A_243 = arith.constant 16 : index
    %swap3A_244 = tpu.vector_load %arg9[%swap3A_243] {strides = array<i32>} : memref<80xi32, #tpu.memory_space<vmem>>, vector<16xi32>,
    %swap3A_245 = vector.shape_cast %swap3A_244 : vector<16xi32> to vector<16xi32>
    %swap3A_246 = vector.shape_cast %select_n3A_242 : vector<16xi32> to vector<16xi32>
    tpu.vector_store %arg9[%swap3A_243], %swap3A_246 {strides = array<i32>} : memref<80xi32, #tpu.memory_space<vmem>>, vector<16xi32>,
    %swap3A_247 = arith.constant 16 : index
    %swap3A_248 = tpu.vector_load %arg10[%swap3A_247] {strides = array<i32>} : memref<80xi32, #tpu.memory_space<vmem>>, vector<16xi32>,
    %swap3A_249 = vector.shape_cast %swap3A_248 : vector<16xi32> to vector<16xi32>
    %swap3A_250 = vector.shape_cast %shift_right_logical3A_238 : vector<16xi32> to vector<16xi32>
    tpu.vector_store %arg10[%swap3A_247], %swap3A_250 {strides = array<i32>} : memref<80xi32, #tpu.memory_space<vmem>>, vector<16xi32>,
    %get3A_251 = arith.constant 112 : index
    %get3A_252 = tpu.vector_load %arg5[%get3A_251] {strides = array<i32>} : memref<10000xi32, #tpu.memory_space<vmem>>, vector<16xi32>,
    %get3A_253 = vector.shape_cast %get3A_252 : vector<16xi32> to vector<16xi32>
    %broadcast_in_dim3A_254 = arith.constant 65535 : i32
    %broadcast_in_dim3A_255 = vector.broadcast %broadcast_in_dim3A_254 : i32 to vector<16xi32>
    %and3A_256 = arith.andi %get3A_253, %broadcast_in_dim3A_255 : vector<16xi32>
    %broadcast_in_dim3A_257 = arith.constant 16 : i32
    %broadcast_in_dim3A_258 = vector.broadcast %broadcast_in_dim3A_257 : i32 to vector<16xi32>
    %shift_right_logical3A_259 = arith.shrui %get3A_253, %broadcast_in_dim3A_258 : vector<16xi32>
    %eq3A_260 = arith.cmpi eq, %and3A_256, %shift_right_logical3A_259 : vector<16xi32>
    %broadcast_in_dim3A_261 = arith.constant 10000 : i32
    %broadcast_in_dim3A_262 = vector.broadcast %broadcast_in_dim3A_261 : i32 to vector<16xi32>
    %select_n3A_263 = arith.select %eq3A_260, %broadcast_in_dim3A_262, %and3A_256 : vector<16xi1>, vector<16xi32>
    %swap3A_264 = arith.constant 32 : index
    %swap3A_265 = tpu.vector_load %arg9[%swap3A_264] {strides = array<i32>} : memref<80xi32, #tpu.memory_space<vmem>>, vector<16xi32>,
    %swap3A_266 = vector.shape_cast %swap3A_265 : vector<16xi32> to vector<16xi32>
    %swap3A_267 = vector.shape_cast %select_n3A_263 : vector<16xi32> to vector<16xi32>
    tpu.vector_store %arg9[%swap3A_264], %swap3A_267 {strides = array<i32>} : memref<80xi32, #tpu.memory_space<vmem>>, vector<16xi32>,
    %swap3A_268 = arith.constant 32 : index
    %swap3A_269 = tpu.vector_load %arg10[%swap3A_268] {strides = array<i32>} : memref<80xi32, #tpu.memory_space<vmem>>, vector<16xi32>,
    %swap3A_270 = vector.shape_cast %swap3A_269 : vector<16xi32> to vector<16xi32>
    %swap3A_271 = vector.shape_cast %shift_right_logical3A_259 : vector<16xi32> to vector<16xi32>
    tpu.vector_store %arg10[%swap3A_268], %swap3A_271 {strides = array<i32>} : memref<80xi32, #tpu.memory_space<vmem>>, vector<16xi32>,
    %get3A_272 = arith.constant 128 : index
    %get3A_273 = tpu.vector_load %arg5[%get3A_272] {strides = array<i32>} : memref<10000xi32, #tpu.memory_space<vmem>>, vector<16xi32>,
    %get3A_274 = vector.shape_cast %get3A_273 : vector<16xi32> to vector<16xi32>
    %broadcast_in_dim3A_275 = arith.constant 65535 : i32
    %broadcast_in_dim3A_276 = vector.broadcast %broadcast_in_dim3A_275 : i32 to vector<16xi32>
    %and3A_277 = arith.andi %get3A_274, %broadcast_in_dim3A_276 : vector<16xi32>
    %broadcast_in_dim3A_278 = arith.constant 16 : i32
    %broadcast_in_dim3A_279 = vector.broadcast %broadcast_in_dim3A_278 : i32 to vector<16xi32>
    %shift_right_logical3A_280 = arith.shrui %get3A_274, %broadcast_in_dim3A_279 : vector<16xi32>
    %eq3A_281 = arith.cmpi eq, %and3A_277, %shift_right_logical3A_280 : vector<16xi32>
    %broadcast_in_dim3A_282 = arith.constant 10000 : i32
    %broadcast_in_dim3A_283 = vector.broadcast %broadcast_in_dim3A_282 : i32 to vector<16xi32>
    %select_n3A_284 = arith.select %eq3A_281, %broadcast_in_dim3A_283, %and3A_277 : vector<16xi1>, vector<16xi32>
    %swap3A_285 = arith.constant 48 : index
    %swap3A_286 = tpu.vector_load %arg9[%swap3A_285] {strides = array<i32>} : memref<80xi32, #tpu.memory_space<vmem>>, vector<16xi32>,
    %swap3A_287 = vector.shape_cast %swap3A_286 : vector<16xi32> to vector<16xi32>
    %swap3A_288 = vector.shape_cast %select_n3A_284 : vector<16xi32> to vector<16xi32>
    tpu.vector_store %arg9[%swap3A_285], %swap3A_288 {strides = array<i32>} : memref<80xi32, #tpu.memory_space<vmem>>, vector<16xi32>,
    %swap3A_289 = arith.constant 48 : index
    %swap3A_290 = tpu.vector_load %arg10[%swap3A_289] {strides = array<i32>} : memref<80xi32, #tpu.memory_space<vmem>>, vector<16xi32>,
    %swap3A_291 = vector.shape_cast %swap3A_290 : vector<16xi32> to vector<16xi32>
    %swap3A_292 = vector.shape_cast %shift_right_logical3A_280 : vector<16xi32> to vector<16xi32>
    tpu.vector_store %arg10[%swap3A_289], %swap3A_292 {strides = array<i32>} : memref<80xi32, #tpu.memory_space<vmem>>, vector<16xi32>,
    %get3A_293 = arith.constant 144 : index
    %get3A_294 = tpu.vector_load %arg5[%get3A_293] {strides = array<i32>} : memref<10000xi32, #tpu.memory_space<vmem>>, vector<16xi32>,
    %get3A_295 = vector.shape_cast %get3A_294 : vector<16xi32> to vector<16xi32>
    %broadcast_in_dim3A_296 = arith.constant 65535 : i32
    %broadcast_in_dim3A_297 = vector.broadcast %broadcast_in_dim3A_296 : i32 to vector<16xi32>
    %and3A_298 = arith.andi %get3A_295, %broadcast_in_dim3A_297 : vector<16xi32>
    %broadcast_in_dim3A_299 = arith.constant 16 : i32
    %broadcast_in_dim3A_300 = vector.broadcast %broadcast_in_dim3A_299 : i32 to vector<16xi32>
    %shift_right_logical3A_301 = arith.shrui %get3A_295, %broadcast_in_dim3A_300 : vector<16xi32>
    %eq3A_302 = arith.cmpi eq, %and3A_298, %shift_right_logical3A_301 : vector<16xi32>
    %broadcast_in_dim3A_303 = arith.constant 10000 : i32
    %broadcast_in_dim3A_304 = vector.broadcast %broadcast_in_dim3A_303 : i32 to vector<16xi32>
    %select_n3A_305 = arith.select %eq3A_302, %broadcast_in_dim3A_304, %and3A_298 : vector<16xi1>, vector<16xi32>
    %swap3A_306 = arith.constant 64 : index
    %swap3A_307 = tpu.vector_load %arg9[%swap3A_306] {strides = array<i32>} : memref<80xi32, #tpu.memory_space<vmem>>, vector<16xi32>,
    %swap3A_308 = vector.shape_cast %swap3A_307 : vector<16xi32> to vector<16xi32>
    %swap3A_309 = vector.shape_cast %select_n3A_305 : vector<16xi32> to vector<16xi32>
    tpu.vector_store %arg9[%swap3A_306], %swap3A_309 {strides = array<i32>} : memref<80xi32, #tpu.memory_space<vmem>>, vector<16xi32>,
    %swap3A_310 = arith.constant 64 : index
    %swap3A_311 = tpu.vector_load %arg10[%swap3A_310] {strides = array<i32>} : memref<80xi32, #tpu.memory_space<vmem>>, vector<16xi32>,
    %swap3A_312 = vector.shape_cast %swap3A_311 : vector<16xi32> to vector<16xi32>
    %swap3A_313 = vector.shape_cast %shift_right_logical3A_301 : vector<16xi32> to vector<16xi32>
    tpu.vector_store %arg10[%swap3A_310], %swap3A_313 {strides = array<i32>} : memref<80xi32, #tpu.memory_space<vmem>>, vector<16xi32>,
    %dma_start3A_314 = arith.constant 0 : i32
    %dma_start3A_315 = arith.constant 0 : i32
    %dma_start3A_316 = tpu.memref_slice %arg2[%dma_start3A_314, %dma_start3A_315] : memref<10016x128xf32, #tpu.memory_space<hbm>> -> memref<10016x128xf32, #tpu.memory_space<hbm>>
    tpu.enqueue_indirect_dma source(%dma_start3A_316 : memref<10016x128xf32, #tpu.memory_space<hbm>>) target(%arg11 : memref<80x128xf32, #tpu.memory_space<vmem>>) offsets(%arg9 : memref<80xi32, #tpu.memory_space<vmem>>) semaphore(%arg17 : memref<!tpu.dma_semaphore, #tpu.memory_space<semaphore_mem>>)
    %scan3A_317 = arith.constant 0 : i32
    %scan3A_318 = arith.constant 0 : i32
    %scan3A_319 = arith.constant 41 : i32
    %scan3A_320 = arith.addi %scan3A_318, %scan3A_319 : i32
    %scan3A_321 = arith.constant 1 : i32
    scf.for %scan3A_330 = %scan3A_318 to %scan3A_320 step %scan3A_321  : i32 {
      %mul3A_331 = arith.constant 3 : i32
      %mul3A_332 = arith.muli %mul3A_331, %scan3A_330 : i32
      %add3A_333 = arith.constant 2 : i32
      %add3A_334 = arith.addi %mul3A_332, %add3A_333 : i32
      %mul3A_335 = arith.constant 80 : i32
      %mul3A_336 = arith.muli %add3A_334, %mul3A_335 : i32
      %add3A_337 = arith.constant 0 : i32
      %add3A_338 = arith.addi %mul3A_336, %add3A_337 : i32
      %get3A_339 = arith.index_cast %add3A_338 : i32 to index
      %get3A_340 = tpu.vector_load %arg5[%get3A_339] {strides = array<i32>} : memref<10000xi32, #tpu.memory_space<vmem>>, vector<16xi32>,
      %get3A_341 = vector.shape_cast %get3A_340 : vector<16xi32> to vector<16xi32>
      %broadcast_in_dim3A_342 = arith.constant 65535 : i32
      %broadcast_in_dim3A_343 = vector.broadcast %broadcast_in_dim3A_342 : i32 to vector<16xi32>
      %and3A_344 = arith.andi %get3A_341, %broadcast_in_dim3A_343 : vector<16xi32>
      %broadcast_in_dim3A_345 = arith.constant 16 : i32
      %broadcast_in_dim3A_346 = vector.broadcast %broadcast_in_dim3A_345 : i32 to vector<16xi32>
      %shift_right_logical3A_347 = arith.shrui %get3A_341, %broadcast_in_dim3A_346 : vector<16xi32>
      %eq3A_348 = arith.cmpi eq, %and3A_344, %shift_right_logical3A_347 : vector<16xi32>
      %broadcast_in_dim3A_349 = arith.constant 10000 : i32
      %broadcast_in_dim3A_350 = vector.broadcast %broadcast_in_dim3A_349 : i32 to vector<16xi32>
      %select_n3A_351 = arith.select %eq3A_348, %broadcast_in_dim3A_350, %and3A_344 : vector<16xi1>, vector<16xi32>
      %swap3A_352 = arith.constant 0 : index
      %swap3A_353 = tpu.vector_load %arg12[%swap3A_352] {strides = array<i32>} : memref<80xi32, #tpu.memory_space<vmem>>, vector<16xi32>,
      %swap3A_354 = vector.shape_cast %swap3A_353 : vector<16xi32> to vector<16xi32>
      %swap3A_355 = vector.shape_cast %select_n3A_351 : vector<16xi32> to vector<16xi32>
      tpu.vector_store %arg12[%swap3A_352], %swap3A_355 {strides = array<i32>} : memref<80xi32, #tpu.memory_space<vmem>>, vector<16xi32>,
      %swap3A_356 = arith.constant 0 : index
      %swap3A_357 = tpu.vector_load %arg13[%swap3A_356] {strides = array<i32>} : memref<80xi32, #tpu.memory_space<vmem>>, vector<16xi32>,
      %swap3A_358 = vector.shape_cast %swap3A_357 : vector<16xi32> to vector<16xi32>
      %swap3A_359 = vector.shape_cast %shift_right_logical3A_347 : vector<16xi32> to vector<16xi32>
      tpu.vector_store %arg13[%swap3A_356], %swap3A_359 {strides = array<i32>} : memref<80xi32, #tpu.memory_space<vmem>>, vector<16xi32>,
      %add3A_360 = arith.constant 16 : i32
      %add3A_361 = arith.addi %mul3A_336, %add3A_360 : i32
      %get3A_362 = arith.index_cast %add3A_361 : i32 to index
      %get3A_363 = tpu.vector_load %arg5[%get3A_362] {strides = array<i32>} : memref<10000xi32, #tpu.memory_space<vmem>>, vector<16xi32>,
      %get3A_364 = vector.shape_cast %get3A_363 : vector<16xi32> to vector<16xi32>
      %broadcast_in_dim3A_365 = arith.constant 65535 : i32
      %broadcast_in_dim3A_366 = vector.broadcast %broadcast_in_dim3A_365 : i32 to vector<16xi32>
      %and3A_367 = arith.andi %get3A_364, %broadcast_in_dim3A_366 : vector<16xi32>
      %broadcast_in_dim3A_368 = arith.constant 16 : i32
      %broadcast_in_dim3A_369 = vector.broadcast %broadcast_in_dim3A_368 : i32 to vector<16xi32>
      %shift_right_logical3A_370 = arith.shrui %get3A_364, %broadcast_in_dim3A_369 : vector<16xi32>
      %eq3A_371 = arith.cmpi eq, %and3A_367, %shift_right_logical3A_370 : vector<16xi32>
      %broadcast_in_dim3A_372 = arith.constant 10000 : i32
      %broadcast_in_dim3A_373 = vector.broadcast %broadcast_in_dim3A_372 : i32 to vector<16xi32>
      %select_n3A_374 = arith.select %eq3A_371, %broadcast_in_dim3A_373, %and3A_367 : vector<16xi1>, vector<16xi32>
      %swap3A_375 = arith.constant 16 : index
      %swap3A_376 = tpu.vector_load %arg12[%swap3A_375] {strides = array<i32>} : memref<80xi32, #tpu.memory_space<vmem>>, vector<16xi32>,
      %swap3A_377 = vector.shape_cast %swap3A_376 : vector<16xi32> to vector<16xi32>
      %swap3A_378 = vector.shape_cast %select_n3A_374 : vector<16xi32> to vector<16xi32>
      tpu.vector_store %arg12[%swap3A_375], %swap3A_378 {strides = array<i32>} : memref<80xi32, #tpu.memory_space<vmem>>, vector<16xi32>,
      %swap3A_379 = arith.constant 16 : index
      %swap3A_380 = tpu.vector_load %arg13[%swap3A_379] {strides = array<i32>} : memref<80xi32, #tpu.memory_space<vmem>>, vector<16xi32>,
      %swap3A_381 = vector.shape_cast %swap3A_380 : vector<16xi32> to vector<16xi32>
      %swap3A_382 = vector.shape_cast %shift_right_logical3A_370 : vector<16xi32> to vector<16xi32>
      tpu.vector_store %arg13[%swap3A_379], %swap3A_382 {strides = array<i32>} : memref<80xi32, #tpu.memory_space<vmem>>, vector<16xi32>,
      %add3A_383 = arith.constant 32 : i32
      %add3A_384 = arith.addi %mul3A_336, %add3A_383 : i32
      %get3A_385 = arith.index_cast %add3A_384 : i32 to index
      %get3A_386 = tpu.vector_load %arg5[%get3A_385] {strides = array<i32>} : memref<10000xi32, #tpu.memory_space<vmem>>, vector<16xi32>,
      %get3A_387 = vector.shape_cast %get3A_386 : vector<16xi32> to vector<16xi32>
      %broadcast_in_dim3A_388 = arith.constant 65535 : i32
      %broadcast_in_dim3A_389 = vector.broadcast %broadcast_in_dim3A_388 : i32 to vector<16xi32>
      %and3A_390 = arith.andi %get3A_387, %broadcast_in_dim3A_389 : vector<16xi32>
      %broadcast_in_dim3A_391 = arith.constant 16 : i32
      %broadcast_in_dim3A_392 = vector.broadcast %broadcast_in_dim3A_391 : i32 to vector<16xi32>
      %shift_right_logical3A_393 = arith.shrui %get3A_387, %broadcast_in_dim3A_392 : vector<16xi32>
      %eq3A_394 = arith.cmpi eq, %and3A_390, %shift_right_logical3A_393 : vector<16xi32>
      %broadcast_in_dim3A_395 = arith.constant 10000 : i32
      %broadcast_in_dim3A_396 = vector.broadcast %broadcast_in_dim3A_395 : i32 to vector<16xi32>
      %select_n3A_397 = arith.select %eq3A_394, %broadcast_in_dim3A_396, %and3A_390 : vector<16xi1>, vector<16xi32>
      %swap3A_398 = arith.constant 32 : index
      %swap3A_399 = tpu.vector_load %arg12[%swap3A_398] {strides = array<i32>} : memref<80xi32, #tpu.memory_space<vmem>>, vector<16xi32>,
      %swap3A_400 = vector.shape_cast %swap3A_399 : vector<16xi32> to vector<16xi32>
      %swap3A_401 = vector.shape_cast %select_n3A_397 : vector<16xi32> to vector<16xi32>
      tpu.vector_store %arg12[%swap3A_398], %swap3A_401 {strides = array<i32>} : memref<80xi32, #tpu.memory_space<vmem>>, vector<16xi32>,
      %swap3A_402 = arith.constant 32 : index
      %swap3A_403 = tpu.vector_load %arg13[%swap3A_402] {strides = array<i32>} : memref<80xi32, #tpu.memory_space<vmem>>, vector<16xi32>,
      %swap3A_404 = vector.shape_cast %swap3A_403 : vector<16xi32> to vector<16xi32>
      %swap3A_405 = vector.shape_cast %shift_right_logical3A_393 : vector<16xi32> to vector<16xi32>
      tpu.vector_store %arg13[%swap3A_402], %swap3A_405 {strides = array<i32>} : memref<80xi32, #tpu.memory_space<vmem>>, vector<16xi32>,
      %add3A_406 = arith.constant 48 : i32
      %add3A_407 = arith.addi %mul3A_336, %add3A_406 : i32
      %get3A_408 = arith.index_cast %add3A_407 : i32 to index
      %get3A_409 = tpu.vector_load %arg5[%get3A_408] {strides = array<i32>} : memref<10000xi32, #tpu.memory_space<vmem>>, vector<16xi32>,
      %get3A_410 = vector.shape_cast %get3A_409 : vector<16xi32> to vector<16xi32>
      %broadcast_in_dim3A_411 = arith.constant 65535 : i32
      %broadcast_in_dim3A_412 = vector.broadcast %broadcast_in_dim3A_411 : i32 to vector<16xi32>
      %and3A_413 = arith.andi %get3A_410, %broadcast_in_dim3A_412 : vector<16xi32>
      %broadcast_in_dim3A_414 = arith.constant 16 : i32
      %broadcast_in_dim3A_415 = vector.broadcast %broadcast_in_dim3A_414 : i32 to vector<16xi32>
      %shift_right_logical3A_416 = arith.shrui %get3A_410, %broadcast_in_dim3A_415 : vector<16xi32>
      %eq3A_417 = arith.cmpi eq, %and3A_413, %shift_right_logical3A_416 : vector<16xi32>
      %broadcast_in_dim3A_418 = arith.constant 10000 : i32
      %broadcast_in_dim3A_419 = vector.broadcast %broadcast_in_dim3A_418 : i32 to vector<16xi32>
      %select_n3A_420 = arith.select %eq3A_417, %broadcast_in_dim3A_419, %and3A_413 : vector<16xi1>, vector<16xi32>
      %swap3A_421 = arith.constant 48 : index
      %swap3A_422 = tpu.vector_load %arg12[%swap3A_421] {strides = array<i32>} : memref<80xi32, #tpu.memory_space<vmem>>, vector<16xi32>,
      %swap3A_423 = vector.shape_cast %swap3A_422 : vector<16xi32> to vector<16xi32>
      %swap3A_424 = vector.shape_cast %select_n3A_420 : vector<16xi32> to vector<16xi32>
      tpu.vector_store %arg12[%swap3A_421], %swap3A_424 {strides = array<i32>} : memref<80xi32, #tpu.memory_space<vmem>>, vector<16xi32>,
      %swap3A_425 = arith.constant 48 : index
      %swap3A_426 = tpu.vector_load %arg13[%swap3A_425] {strides = array<i32>} : memref<80xi32, #tpu.memory_space<vmem>>, vector<16xi32>,
      %swap3A_427 = vector.shape_cast %swap3A_426 : vector<16xi32> to vector<16xi32>
      %swap3A_428 = vector.shape_cast %shift_right_logical3A_416 : vector<16xi32> to vector<16xi32>
      tpu.vector_store %arg13[%swap3A_425], %swap3A_428 {strides = array<i32>} : memref<80xi32, #tpu.memory_space<vmem>>, vector<16xi32>,
      %add3A_429 = arith.constant 64 : i32
      %add3A_430 = arith.addi %mul3A_336, %add3A_429 : i32
      %get3A_431 = arith.index_cast %add3A_430 : i32 to index
      %get3A_432 = tpu.vector_load %arg5[%get3A_431] {strides = array<i32>} : memref<10000xi32, #tpu.memory_space<vmem>>, vector<16xi32>,
      %get3A_433 = vector.shape_cast %get3A_432 : vector<16xi32> to vector<16xi32>
      %broadcast_in_dim3A_434 = arith.constant 65535 : i32
      %broadcast_in_dim3A_435 = vector.broadcast %broadcast_in_dim3A_434 : i32 to vector<16xi32>
      %and3A_436 = arith.andi %get3A_433, %broadcast_in_dim3A_435 : vector<16xi32>
      %broadcast_in_dim3A_437 = arith.constant 16 : i32
      %broadcast_in_dim3A_438 = vector.broadcast %broadcast_in_dim3A_437 : i32 to vector<16xi32>
      %shift_right_logical3A_439 = arith.shrui %get3A_433, %broadcast_in_dim3A_438 : vector<16xi32>
      %eq3A_440 = arith.cmpi eq, %and3A_436, %shift_right_logical3A_439 : vector<16xi32>
      %broadcast_in_dim3A_441 = arith.constant 10000 : i32
      %broadcast_in_dim3A_442 = vector.broadcast %broadcast_in_dim3A_441 : i32 to vector<16xi32>
      %select_n3A_443 = arith.select %eq3A_440, %broadcast_in_dim3A_442, %and3A_436 : vector<16xi1>, vector<16xi32>
      %swap3A_444 = arith.constant 64 : index
      %swap3A_445 = tpu.vector_load %arg12[%swap3A_444] {strides = array<i32>} : memref<80xi32, #tpu.memory_space<vmem>>, vector<16xi32>,
      %swap3A_446 = vector.shape_cast %swap3A_445 : vector<16xi32> to vector<16xi32>
      %swap3A_447 = vector.shape_cast %select_n3A_443 : vector<16xi32> to vector<16xi32>
      tpu.vector_store %arg12[%swap3A_444], %swap3A_447 {strides = array<i32>} : memref<80xi32, #tpu.memory_space<vmem>>, vector<16xi32>,
      %swap3A_448 = arith.constant 64 : index
      %swap3A_449 = tpu.vector_load %arg13[%swap3A_448] {strides = array<i32>} : memref<80xi32, #tpu.memory_space<vmem>>, vector<16xi32>,
      %swap3A_450 = vector.shape_cast %swap3A_449 : vector<16xi32> to vector<16xi32>
      %swap3A_451 = vector.shape_cast %shift_right_logical3A_439 : vector<16xi32> to vector<16xi32>
      tpu.vector_store %arg13[%swap3A_448], %swap3A_451 {strides = array<i32>} : memref<80xi32, #tpu.memory_space<vmem>>, vector<16xi32>,
      %dma_start3A_452 = arith.constant 0 : i32
      %dma_start3A_453 = arith.constant 0 : i32
      %dma_start3A_454 = tpu.memref_slice %arg2[%dma_start3A_452, %dma_start3A_453] : memref<10016x128xf32, #tpu.memory_space<hbm>> -> memref<10016x128xf32, #tpu.memory_space<hbm>>
      tpu.enqueue_indirect_dma source(%dma_start3A_454 : memref<10016x128xf32, #tpu.memory_space<hbm>>) target(%arg14 : memref<80x128xf32, #tpu.memory_space<vmem>>) offsets(%arg12 : memref<80xi32, #tpu.memory_space<vmem>>) semaphore(%arg18 : memref<!tpu.dma_semaphore, #tpu.memory_space<semaphore_mem>>)
      %dma_wait3A_455 = arith.constant 0 : i32
      %dma_wait3A_456 = arith.constant 0 : i32
      %dma_wait3A_457 = tpu.memref_slice %arg2[%dma_wait3A_455, %dma_wait3A_456] : memref<10016x128xf32, #tpu.memory_space<hbm>> -> memref<10016x128xf32, #tpu.memory_space<hbm>>
      tpu.wait_indirect_dma semaphore(%arg16 : memref<!tpu.dma_semaphore, #tpu.memory_space<semaphore_mem>>) src(%dma_wait3A_457 : memref<10016x128xf32, #tpu.memory_space<hbm>>) dst(%arg8 : memref<80x128xf32, #tpu.memory_space<vmem>>)
      "tpu.region"() ({
        %run_scoped3A = tpu.sem_alloc : memref<!tpu.dma_semaphore, #tpu.memory_space<semaphore_mem>>
        %dma_start3A_712 = arith.constant 0 : i32
        %dma_start3A_713 = arith.constant 0 : i32
        %dma_start3A_714 = tpu.memref_slice %arg15[%dma_start3A_712, %dma_start3A_713] : memref<10240x128xf32, #tpu.memory_space<vmem_shared>> -> memref<10240x128xf32, #tpu.memory_space<vmem_shared>>
        tpu.enqueue_indirect_dma source(%arg8 : memref<80x128xf32, #tpu.memory_space<vmem>>) target(%dma_start3A_714 : memref<10240x128xf32, #tpu.memory_space<vmem_shared>>) offsets(%arg7 : memref<80xi32, #tpu.memory_space<vmem>>) semaphore(%run_scoped3A : memref<!tpu.dma_semaphore, #tpu.memory_space<semaphore_mem>>) {add = true}
        %dma_wait3A_715 = arith.constant 0 : i32
        %dma_wait3A_716 = arith.constant 0 : i32
        %dma_wait3A_717 = tpu.memref_slice %arg15[%dma_wait3A_715, %dma_wait3A_716] : memref<10240x128xf32, #tpu.memory_space<vmem_shared>> -> memref<10240x128xf32, #tpu.memory_space<vmem_shared>>
        tpu.wait_indirect_dma semaphore(%run_scoped3A : memref<!tpu.dma_semaphore, #tpu.memory_space<semaphore_mem>>) src(%arg8 : memref<80x128xf32, #tpu.memory_space<vmem>>) dst(%dma_wait3A_717 : memref<10240x128xf32, #tpu.memory_space<vmem_shared>>)
        tpu.yield
      }) : () -> ()
      %mul3A_458 = arith.constant 3 : i32
      %mul3A_459 = arith.muli %mul3A_458, %scan3A_330 : i32
      %add3A_460 = arith.constant 3 : i32
      %add3A_461 = arith.addi %mul3A_459, %add3A_460 : i32
      %mul3A_462 = arith.constant 80 : i32
      %mul3A_463 = arith.muli %add3A_461, %mul3A_462 : i32
      %add3A_464 = arith.constant 0 : i32
      %add3A_465 = arith.addi %mul3A_463, %add3A_464 : i32
      %get3A_466 = arith.index_cast %add3A_465 : i32 to index
      %get3A_467 = tpu.vector_load %arg5[%get3A_466] {strides = array<i32>} : memref<10000xi32, #tpu.memory_space<vmem>>, vector<16xi32>,
      %get3A_468 = vector.shape_cast %get3A_467 : vector<16xi32> to vector<16xi32>
      %broadcast_in_dim3A_469 = arith.constant 65535 : i32
      %broadcast_in_dim3A_470 = vector.broadcast %broadcast_in_dim3A_469 : i32 to vector<16xi32>
      %and3A_471 = arith.andi %get3A_468, %broadcast_in_dim3A_470 : vector<16xi32>
      %broadcast_in_dim3A_472 = arith.constant 16 : i32
      %broadcast_in_dim3A_473 = vector.broadcast %broadcast_in_dim3A_472 : i32 to vector<16xi32>
      %shift_right_logical3A_474 = arith.shrui %get3A_468, %broadcast_in_dim3A_473 : vector<16xi32>
      %eq3A_475 = arith.cmpi eq, %and3A_471, %shift_right_logical3A_474 : vector<16xi32>
      %broadcast_in_dim3A_476 = arith.constant 10000 : i32
      %broadcast_in_dim3A_477 = vector.broadcast %broadcast_in_dim3A_476 : i32 to vector<16xi32>
      %select_n3A_478 = arith.select %eq3A_475, %broadcast_in_dim3A_477, %and3A_471 : vector<16xi1>, vector<16xi32>
      %swap3A_479 = arith.constant 0 : index
      %swap3A_480 = tpu.vector_load %arg6[%swap3A_479] {strides = array<i32>} : memref<80xi32, #tpu.memory_space<vmem>>, vector<16xi32>,
      %swap3A_481 = vector.shape_cast %swap3A_480 : vector<16xi32> to vector<16xi32>
      %swap3A_482 = vector.shape_cast %select_n3A_478 : vector<16xi32> to vector<16xi32>
      tpu.vector_store %arg6[%swap3A_479], %swap3A_482 {strides = array<i32>} : memref<80xi32, #tpu.memory_space<vmem>>, vector<16xi32>,
      %swap3A_483 = arith.constant 0 : index
      %swap3A_484 = tpu.vector_load %arg7[%swap3A_483] {strides = array<i32>} : memref<80xi32, #tpu.memory_space<vmem>>, vector<16xi32>,
      %swap3A_485 = vector.shape_cast %swap3A_484 : vector<16xi32> to vector<16xi32>
      %swap3A_486 = vector.shape_cast %shift_right_logical3A_474 : vector<16xi32> to vector<16xi32>
      tpu.vector_store %arg7[%swap3A_483], %swap3A_486 {strides = array<i32>} : memref<80xi32, #tpu.memory_space<vmem>>, vector<16xi32>,
      %add3A_487 = arith.constant 16 : i32
      %add3A_488 = arith.addi %mul3A_463, %add3A_487 : i32
      %get3A_489 = arith.index_cast %add3A_488 : i32 to index
      %get3A_490 = tpu.vector_load %arg5[%get3A_489] {strides = array<i32>} : memref<10000xi32, #tpu.memory_space<vmem>>, vector<16xi32>,
      %get3A_491 = vector.shape_cast %get3A_490 : vector<16xi32> to vector<16xi32>
      %broadcast_in_dim3A_492 = arith.constant 65535 : i32
      %broadcast_in_dim3A_493 = vector.broadcast %broadcast_in_dim3A_492 : i32 to vector<16xi32>
      %and3A_494 = arith.andi %get3A_491, %broadcast_in_dim3A_493 : vector<16xi32>
      %broadcast_in_dim3A_495 = arith.constant 16 : i32
      %broadcast_in_dim3A_496 = vector.broadcast %broadcast_in_dim3A_495 : i32 to vector<16xi32>
      %shift_right_logical3A_497 = arith.shrui %get3A_491, %broadcast_in_dim3A_496 : vector<16xi32>
      %eq3A_498 = arith.cmpi eq, %and3A_494, %shift_right_logical3A_497 : vector<16xi32>
      %broadcast_in_dim3A_499 = arith.constant 10000 : i32
      %broadcast_in_dim3A_500 = vector.broadcast %broadcast_in_dim3A_499 : i32 to vector<16xi32>
      %select_n3A_501 = arith.select %eq3A_498, %broadcast_in_dim3A_500, %and3A_494 : vector<16xi1>, vector<16xi32>
      %swap3A_502 = arith.constant 16 : index
      %swap3A_503 = tpu.vector_load %arg6[%swap3A_502] {strides = array<i32>} : memref<80xi32, #tpu.memory_space<vmem>>, vector<16xi32>,
      %swap3A_504 = vector.shape_cast %swap3A_503 : vector<16xi32> to vector<16xi32>
      %swap3A_505 = vector.shape_cast %select_n3A_501 : vector<16xi32> to vector<16xi32>
      tpu.vector_store %arg6[%swap3A_502], %swap3A_505 {strides = array<i32>} : memref<80xi32, #tpu.memory_space<vmem>>, vector<16xi32>,
      %swap3A_506 = arith.constant 16 : index
      %swap3A_507 = tpu.vector_load %arg7[%swap3A_506] {strides = array<i32>} : memref<80xi32, #tpu.memory_space<vmem>>, vector<16xi32>,
      %swap3A_508 = vector.shape_cast %swap3A_507 : vector<16xi32> to vector<16xi32>
      %swap3A_509 = vector.shape_cast %shift_right_logical3A_497 : vector<16xi32> to vector<16xi32>
      tpu.vector_store %arg7[%swap3A_506], %swap3A_509 {strides = array<i32>} : memref<80xi32, #tpu.memory_space<vmem>>, vector<16xi32>,
      %add3A_510 = arith.constant 32 : i32
      %add3A_511 = arith.addi %mul3A_463, %add3A_510 : i32
      %get3A_512 = arith.index_cast %add3A_511 : i32 to index
      %get3A_513 = tpu.vector_load %arg5[%get3A_512] {strides = array<i32>} : memref<10000xi32, #tpu.memory_space<vmem>>, vector<16xi32>,
      %get3A_514 = vector.shape_cast %get3A_513 : vector<16xi32> to vector<16xi32>
      %broadcast_in_dim3A_515 = arith.constant 65535 : i32
      %broadcast_in_dim3A_516 = vector.broadcast %broadcast_in_dim3A_515 : i32 to vector<16xi32>
      %and3A_517 = arith.andi %get3A_514, %broadcast_in_dim3A_516 : vector<16xi32>
      %broadcast_in_dim3A_518 = arith.constant 16 : i32
      %broadcast_in_dim3A_519 = vector.broadcast %broadcast_in_dim3A_518 : i32 to vector<16xi32>
      %shift_right_logical3A_520 = arith.shrui %get3A_514, %broadcast_in_dim3A_519 : vector<16xi32>
      %eq3A_521 = arith.cmpi eq, %and3A_517, %shift_right_logical3A_520 : vector<16xi32>
      %broadcast_in_dim3A_522 = arith.constant 10000 : i32
      %broadcast_in_dim3A_523 = vector.broadcast %broadcast_in_dim3A_522 : i32 to vector<16xi32>
      %select_n3A_524 = arith.select %eq3A_521, %broadcast_in_dim3A_523, %and3A_517 : vector<16xi1>, vector<16xi32>
      %swap3A_525 = arith.constant 32 : index
      %swap3A_526 = tpu.vector_load %arg6[%swap3A_525] {strides = array<i32>} : memref<80xi32, #tpu.memory_space<vmem>>, vector<16xi32>,
      %swap3A_527 = vector.shape_cast %swap3A_526 : vector<16xi32> to vector<16xi32>
      %swap3A_528 = vector.shape_cast %select_n3A_524 : vector<16xi32> to vector<16xi32>
      tpu.vector_store %arg6[%swap3A_525], %swap3A_528 {strides = array<i32>} : memref<80xi32, #tpu.memory_space<vmem>>, vector<16xi32>,
      %swap3A_529 = arith.constant 32 : index
      %swap3A_530 = tpu.vector_load %arg7[%swap3A_529] {strides = array<i32>} : memref<80xi32, #tpu.memory_space<vmem>>, vector<16xi32>,
      %swap3A_531 = vector.shape_cast %swap3A_530 : vector<16xi32> to vector<16xi32>
      %swap3A_532 = vector.shape_cast %shift_right_logical3A_520 : vector<16xi32> to vector<16xi32>
      tpu.vector_store %arg7[%swap3A_529], %swap3A_532 {strides = array<i32>} : memref<80xi32, #tpu.memory_space<vmem>>, vector<16xi32>,
      %add3A_533 = arith.constant 48 : i32
      %add3A_534 = arith.addi %mul3A_463, %add3A_533 : i32
      %get3A_535 = arith.index_cast %add3A_534 : i32 to index
      %get3A_536 = tpu.vector_load %arg5[%get3A_535] {strides = array<i32>} : memref<10000xi32, #tpu.memory_space<vmem>>, vector<16xi32>,
      %get3A_537 = vector.shape_cast %get3A_536 : vector<16xi32> to vector<16xi32>
      %broadcast_in_dim3A_538 = arith.constant 65535 : i32
      %broadcast_in_dim3A_539 = vector.broadcast %broadcast_in_dim3A_538 : i32 to vector<16xi32>
      %and3A_540 = arith.andi %get3A_537, %broadcast_in_dim3A_539 : vector<16xi32>
      %broadcast_in_dim3A_541 = arith.constant 16 : i32
      %broadcast_in_dim3A_542 = vector.broadcast %broadcast_in_dim3A_541 : i32 to vector<16xi32>
      %shift_right_logical3A_543 = arith.shrui %get3A_537, %broadcast_in_dim3A_542 : vector<16xi32>
      %eq3A_544 = arith.cmpi eq, %and3A_540, %shift_right_logical3A_543 : vector<16xi32>
      %broadcast_in_dim3A_545 = arith.constant 10000 : i32
      %broadcast_in_dim3A_546 = vector.broadcast %broadcast_in_dim3A_545 : i32 to vector<16xi32>
      %select_n3A_547 = arith.select %eq3A_544, %broadcast_in_dim3A_546, %and3A_540 : vector<16xi1>, vector<16xi32>
      %swap3A_548 = arith.constant 48 : index
      %swap3A_549 = tpu.vector_load %arg6[%swap3A_548] {strides = array<i32>} : memref<80xi32, #tpu.memory_space<vmem>>, vector<16xi32>,
      %swap3A_550 = vector.shape_cast %swap3A_549 : vector<16xi32> to vector<16xi32>
      %swap3A_551 = vector.shape_cast %select_n3A_547 : vector<16xi32> to vector<16xi32>
      tpu.vector_store %arg6[%swap3A_548], %swap3A_551 {strides = array<i32>} : memref<80xi32, #tpu.memory_space<vmem>>, vector<16xi32>,
      %swap3A_552 = arith.constant 48 : index
      %swap3A_553 = tpu.vector_load %arg7[%swap3A_552] {strides = array<i32>} : memref<80xi32, #tpu.memory_space<vmem>>, vector<16xi32>,
      %swap3A_554 = vector.shape_cast %swap3A_553 : vector<16xi32> to vector<16xi32>
      %swap3A_555 = vector.shape_cast %shift_right_logical3A_543 : vector<16xi32> to vector<16xi32>
      tpu.vector_store %arg7[%swap3A_552], %swap3A_555 {strides = array<i32>} : memref<80xi32, #tpu.memory_space<vmem>>, vector<16xi32>,
      %add3A_556 = arith.constant 64 : i32
      %add3A_557 = arith.addi %mul3A_463, %add3A_556 : i32
      %get3A_558 = arith.index_cast %add3A_557 : i32 to index
      %get3A_559 = tpu.vector_load %arg5[%get3A_558] {strides = array<i32>} : memref<10000xi32, #tpu.memory_space<vmem>>, vector<16xi32>,
      %get3A_560 = vector.shape_cast %get3A_559 : vector<16xi32> to vector<16xi32>
      %broadcast_in_dim3A_561 = arith.constant 65535 : i32
      %broadcast_in_dim3A_562 = vector.broadcast %broadcast_in_dim3A_561 : i32 to vector<16xi32>
      %and3A_563 = arith.andi %get3A_560, %broadcast_in_dim3A_562 : vector<16xi32>
      %broadcast_in_dim3A_564 = arith.constant 16 : i32
      %broadcast_in_dim3A_565 = vector.broadcast %broadcast_in_dim3A_564 : i32 to vector<16xi32>
      %shift_right_logical3A_566 = arith.shrui %get3A_560, %broadcast_in_dim3A_565 : vector<16xi32>
      %eq3A_567 = arith.cmpi eq, %and3A_563, %shift_right_logical3A_566 : vector<16xi32>
      %broadcast_in_dim3A_568 = arith.constant 10000 : i32
      %broadcast_in_dim3A_569 = vector.broadcast %broadcast_in_dim3A_568 : i32 to vector<16xi32>
      %select_n3A_570 = arith.select %eq3A_567, %broadcast_in_dim3A_569, %and3A_563 : vector<16xi1>, vector<16xi32>
      %swap3A_571 = arith.constant 64 : index
      %swap3A_572 = tpu.vector_load %arg6[%swap3A_571] {strides = array<i32>} : memref<80xi32, #tpu.memory_space<vmem>>, vector<16xi32>,
      %swap3A_573 = vector.shape_cast %swap3A_572 : vector<16xi32> to vector<16xi32>
      %swap3A_574 = vector.shape_cast %select_n3A_570 : vector<16xi32> to vector<16xi32>
      tpu.vector_store %arg6[%swap3A_571], %swap3A_574 {strides = array<i32>} : memref<80xi32, #tpu.memory_space<vmem>>, vector<16xi32>,
      %swap3A_575 = arith.constant 64 : index
      %swap3A_576 = tpu.vector_load %arg7[%swap3A_575] {strides = array<i32>} : memref<80xi32, #tpu.memory_space<vmem>>, vector<16xi32>,
      %swap3A_577 = vector.shape_cast %swap3A_576 : vector<16xi32> to vector<16xi32>
      %swap3A_578 = vector.shape_cast %shift_right_logical3A_566 : vector<16xi32> to vector<16xi32>
      tpu.vector_store %arg7[%swap3A_575], %swap3A_578 {strides = array<i32>} : memref<80xi32, #tpu.memory_space<vmem>>, vector<16xi32>,
      %dma_start3A_579 = arith.constant 0 : i32
      %dma_start3A_580 = arith.constant 0 : i32
      %dma_start3A_581 = tpu.memref_slice %arg2[%dma_start3A_579, %dma_start3A_580] : memref<10016x128xf32, #tpu.memory_space<hbm>> -> memref<10016x128xf32, #tpu.memory_space<hbm>>
      tpu.enqueue_indirect_dma source(%dma_start3A_581 : memref<10016x128xf32, #tpu.memory_space<hbm>>) target(%arg8 : memref<80x128xf32, #tpu.memory_space<vmem>>) offsets(%arg6 : memref<80xi32, #tpu.memory_space<vmem>>) semaphore(%arg16 : memref<!tpu.dma_semaphore, #tpu.memory_space<semaphore_mem>>)
      %dma_wait3A_582 = arith.constant 0 : i32
      %dma_wait3A_583 = arith.constant 0 : i32
      %dma_wait3A_584 = tpu.memref_slice %arg2[%dma_wait3A_582, %dma_wait3A_583] : memref<10016x128xf32, #tpu.memory_space<hbm>> -> memref<10016x128xf32, #tpu.memory_space<hbm>>
      tpu.wait_indirect_dma semaphore(%arg17 : memref<!tpu.dma_semaphore, #tpu.memory_space<semaphore_mem>>) src(%dma_wait3A_584 : memref<10016x128xf32, #tpu.memory_space<hbm>>) dst(%arg11 : memref<80x128xf32, #tpu.memory_space<vmem>>)
      "tpu.region"() ({
        %run_scoped3A = tpu.sem_alloc : memref<!tpu.dma_semaphore, #tpu.memory_space<semaphore_mem>>
        %dma_start3A_712 = arith.constant 0 : i32
        %dma_start3A_713 = arith.constant 0 : i32
        %dma_start3A_714 = tpu.memref_slice %arg15[%dma_start3A_712, %dma_start3A_713] : memref<10240x128xf32, #tpu.memory_space<vmem_shared>> -> memref<10240x128xf32, #tpu.memory_space<vmem_shared>>
        tpu.enqueue_indirect_dma source(%arg11 : memref<80x128xf32, #tpu.memory_space<vmem>>) target(%dma_start3A_714 : memref<10240x128xf32, #tpu.memory_space<vmem_shared>>) offsets(%arg10 : memref<80xi32, #tpu.memory_space<vmem>>) semaphore(%run_scoped3A : memref<!tpu.dma_semaphore, #tpu.memory_space<semaphore_mem>>) {add = true}
        %dma_wait3A_715 = arith.constant 0 : i32
        %dma_wait3A_716 = arith.constant 0 : i32
        %dma_wait3A_717 = tpu.memref_slice %arg15[%dma_wait3A_715, %dma_wait3A_716] : memref<10240x128xf32, #tpu.memory_space<vmem_shared>> -> memref<10240x128xf32, #tpu.memory_space<vmem_shared>>
        tpu.wait_indirect_dma semaphore(%run_scoped3A : memref<!tpu.dma_semaphore, #tpu.memory_space<semaphore_mem>>) src(%arg11 : memref<80x128xf32, #tpu.memory_space<vmem>>) dst(%dma_wait3A_717 : memref<10240x128xf32, #tpu.memory_space<vmem_shared>>)
        tpu.yield
      }) : () -> ()
      %mul3A_585 = arith.constant 3 : i32
      %mul3A_586 = arith.muli %mul3A_585, %scan3A_330 : i32
      %add3A_587 = arith.constant 4 : i32
      %add3A_588 = arith.addi %mul3A_586, %add3A_587 : i32
      %mul3A_589 = arith.constant 80 : i32
      %mul3A_590 = arith.muli %add3A_588, %mul3A_589 : i32
      %add3A_591 = arith.constant 0 : i32
      %add3A_592 = arith.addi %mul3A_590, %add3A_591 : i32
      %get3A_593 = arith.index_cast %add3A_592 : i32 to index
      %get3A_594 = tpu.vector_load %arg5[%get3A_593] {strides = array<i32>} : memref<10000xi32, #tpu.memory_space<vmem>>, vector<16xi32>,
      %get3A_595 = vector.shape_cast %get3A_594 : vector<16xi32> to vector<16xi32>
      %broadcast_in_dim3A_596 = arith.constant 65535 : i32
      %broadcast_in_dim3A_597 = vector.broadcast %broadcast_in_dim3A_596 : i32 to vector<16xi32>
      %and3A_598 = arith.andi %get3A_595, %broadcast_in_dim3A_597 : vector<16xi32>
      %broadcast_in_dim3A_599 = arith.constant 16 : i32
      %broadcast_in_dim3A_600 = vector.broadcast %broadcast_in_dim3A_599 : i32 to vector<16xi32>
      %shift_right_logical3A_601 = arith.shrui %get3A_595, %broadcast_in_dim3A_600 : vector<16xi32>
      %eq3A_602 = arith.cmpi eq, %and3A_598, %shift_right_logical3A_601 : vector<16xi32>
      %broadcast_in_dim3A_603 = arith.constant 10000 : i32
      %broadcast_in_dim3A_604 = vector.broadcast %broadcast_in_dim3A_603 : i32 to vector<16xi32>
      %select_n3A_605 = arith.select %eq3A_602, %broadcast_in_dim3A_604, %and3A_598 : vector<16xi1>, vector<16xi32>
      %swap3A_606 = arith.constant 0 : index
      %swap3A_607 = tpu.vector_load %arg9[%swap3A_606] {strides = array<i32>} : memref<80xi32, #tpu.memory_space<vmem>>, vector<16xi32>,
      %swap3A_608 = vector.shape_cast %swap3A_607 : vector<16xi32> to vector<16xi32>
      %swap3A_609 = vector.shape_cast %select_n3A_605 : vector<16xi32> to vector<16xi32>
      tpu.vector_store %arg9[%swap3A_606], %swap3A_609 {strides = array<i32>} : memref<80xi32, #tpu.memory_space<vmem>>, vector<16xi32>,
      %swap3A_610 = arith.constant 0 : index
      %swap3A_611 = tpu.vector_load %arg10[%swap3A_610] {strides = array<i32>} : memref<80xi32, #tpu.memory_space<vmem>>, vector<16xi32>,
      %swap3A_612 = vector.shape_cast %swap3A_611 : vector<16xi32> to vector<16xi32>
      %swap3A_613 = vector.shape_cast %shift_right_logical3A_601 : vector<16xi32> to vector<16xi32>
      tpu.vector_store %arg10[%swap3A_610], %swap3A_613 {strides = array<i32>} : memref<80xi32, #tpu.memory_space<vmem>>, vector<16xi32>,
      %add3A_614 = arith.constant 16 : i32
      %add3A_615 = arith.addi %mul3A_590, %add3A_614 : i32
      %get3A_616 = arith.index_cast %add3A_615 : i32 to index
      %get3A_617 = tpu.vector_load %arg5[%get3A_616] {strides = array<i32>} : memref<10000xi32, #tpu.memory_space<vmem>>, vector<16xi32>,
      %get3A_618 = vector.shape_cast %get3A_617 : vector<16xi32> to vector<16xi32>
      %broadcast_in_dim3A_619 = arith.constant 65535 : i32
      %broadcast_in_dim3A_620 = vector.broadcast %broadcast_in_dim3A_619 : i32 to vector<16xi32>
      %and3A_621 = arith.andi %get3A_618, %broadcast_in_dim3A_620 : vector<16xi32>
      %broadcast_in_dim3A_622 = arith.constant 16 : i32
      %broadcast_in_dim3A_623 = vector.broadcast %broadcast_in_dim3A_622 : i32 to vector<16xi32>
      %shift_right_logical3A_624 = arith.shrui %get3A_618, %broadcast_in_dim3A_623 : vector<16xi32>
      %eq3A_625 = arith.cmpi eq, %and3A_621, %shift_right_logical3A_624 : vector<16xi32>
      %broadcast_in_dim3A_626 = arith.constant 10000 : i32
      %broadcast_in_dim3A_627 = vector.broadcast %broadcast_in_dim3A_626 : i32 to vector<16xi32>
      %select_n3A_628 = arith.select %eq3A_625, %broadcast_in_dim3A_627, %and3A_621 : vector<16xi1>, vector<16xi32>
      %swap3A_629 = arith.constant 16 : index
      %swap3A_630 = tpu.vector_load %arg9[%swap3A_629] {strides = array<i32>} : memref<80xi32, #tpu.memory_space<vmem>>, vector<16xi32>,
      %swap3A_631 = vector.shape_cast %swap3A_630 : vector<16xi32> to vector<16xi32>
      %swap3A_632 = vector.shape_cast %select_n3A_628 : vector<16xi32> to vector<16xi32>
      tpu.vector_store %arg9[%swap3A_629], %swap3A_632 {strides = array<i32>} : memref<80xi32, #tpu.memory_space<vmem>>, vector<16xi32>,
      %swap3A_633 = arith.constant 16 : index
      %swap3A_634 = tpu.vector_load %arg10[%swap3A_633] {strides = array<i32>} : memref<80xi32, #tpu.memory_space<vmem>>, vector<16xi32>,
      %swap3A_635 = vector.shape_cast %swap3A_634 : vector<16xi32> to vector<16xi32>
      %swap3A_636 = vector.shape_cast %shift_right_logical3A_624 : vector<16xi32> to vector<16xi32>
      tpu.vector_store %arg10[%swap3A_633], %swap3A_636 {strides = array<i32>} : memref<80xi32, #tpu.memory_space<vmem>>, vector<16xi32>,
      %add3A_637 = arith.constant 32 : i32
      %add3A_638 = arith.addi %mul3A_590, %add3A_637 : i32
      %get3A_639 = arith.index_cast %add3A_638 : i32 to index
      %get3A_640 = tpu.vector_load %arg5[%get3A_639] {strides = array<i32>} : memref<10000xi32, #tpu.memory_space<vmem>>, vector<16xi32>,
      %get3A_641 = vector.shape_cast %get3A_640 : vector<16xi32> to vector<16xi32>
      %broadcast_in_dim3A_642 = arith.constant 65535 : i32
      %broadcast_in_dim3A_643 = vector.broadcast %broadcast_in_dim3A_642 : i32 to vector<16xi32>
      %and3A_644 = arith.andi %get3A_641, %broadcast_in_dim3A_643 : vector<16xi32>
      %broadcast_in_dim3A_645 = arith.constant 16 : i32
      %broadcast_in_dim3A_646 = vector.broadcast %broadcast_in_dim3A_645 : i32 to vector<16xi32>
      %shift_right_logical3A_647 = arith.shrui %get3A_641, %broadcast_in_dim3A_646 : vector<16xi32>
      %eq3A_648 = arith.cmpi eq, %and3A_644, %shift_right_logical3A_647 : vector<16xi32>
      %broadcast_in_dim3A_649 = arith.constant 10000 : i32
      %broadcast_in_dim3A_650 = vector.broadcast %broadcast_in_dim3A_649 : i32 to vector<16xi32>
      %select_n3A_651 = arith.select %eq3A_648, %broadcast_in_dim3A_650, %and3A_644 : vector<16xi1>, vector<16xi32>
      %swap3A_652 = arith.constant 32 : index
      %swap3A_653 = tpu.vector_load %arg9[%swap3A_652] {strides = array<i32>} : memref<80xi32, #tpu.memory_space<vmem>>, vector<16xi32>,
      %swap3A_654 = vector.shape_cast %swap3A_653 : vector<16xi32> to vector<16xi32>
      %swap3A_655 = vector.shape_cast %select_n3A_651 : vector<16xi32> to vector<16xi32>
      tpu.vector_store %arg9[%swap3A_652], %swap3A_655 {strides = array<i32>} : memref<80xi32, #tpu.memory_space<vmem>>, vector<16xi32>,
      %swap3A_656 = arith.constant 32 : index
      %swap3A_657 = tpu.vector_load %arg10[%swap3A_656] {strides = array<i32>} : memref<80xi32, #tpu.memory_space<vmem>>, vector<16xi32>,
      %swap3A_658 = vector.shape_cast %swap3A_657 : vector<16xi32> to vector<16xi32>
      %swap3A_659 = vector.shape_cast %shift_right_logical3A_647 : vector<16xi32> to vector<16xi32>
      tpu.vector_store %arg10[%swap3A_656], %swap3A_659 {strides = array<i32>} : memref<80xi32, #tpu.memory_space<vmem>>, vector<16xi32>,
      %add3A_660 = arith.constant 48 : i32
      %add3A_661 = arith.addi %mul3A_590, %add3A_660 : i32
      %get3A_662 = arith.index_cast %add3A_661 : i32 to index
      %get3A_663 = tpu.vector_load %arg5[%get3A_662] {strides = array<i32>} : memref<10000xi32, #tpu.memory_space<vmem>>, vector<16xi32>,
      %get3A_664 = vector.shape_cast %get3A_663 : vector<16xi32> to vector<16xi32>
      %broadcast_in_dim3A_665 = arith.constant 65535 : i32
      %broadcast_in_dim3A_666 = vector.broadcast %broadcast_in_dim3A_665 : i32 to vector<16xi32>
      %and3A_667 = arith.andi %get3A_664, %broadcast_in_dim3A_666 : vector<16xi32>
      %broadcast_in_dim3A_668 = arith.constant 16 : i32
      %broadcast_in_dim3A_669 = vector.broadcast %broadcast_in_dim3A_668 : i32 to vector<16xi32>
      %shift_right_logical3A_670 = arith.shrui %get3A_664, %broadcast_in_dim3A_669 : vector<16xi32>
      %eq3A_671 = arith.cmpi eq, %and3A_667, %shift_right_logical3A_670 : vector<16xi32>
      %broadcast_in_dim3A_672 = arith.constant 10000 : i32
      %broadcast_in_dim3A_673 = vector.broadcast %broadcast_in_dim3A_672 : i32 to vector<16xi32>
      %select_n3A_674 = arith.select %eq3A_671, %broadcast_in_dim3A_673, %and3A_667 : vector<16xi1>, vector<16xi32>
      %swap3A_675 = arith.constant 48 : index
      %swap3A_676 = tpu.vector_load %arg9[%swap3A_675] {strides = array<i32>} : memref<80xi32, #tpu.memory_space<vmem>>, vector<16xi32>,
      %swap3A_677 = vector.shape_cast %swap3A_676 : vector<16xi32> to vector<16xi32>
      %swap3A_678 = vector.shape_cast %select_n3A_674 : vector<16xi32> to vector<16xi32>
      tpu.vector_store %arg9[%swap3A_675], %swap3A_678 {strides = array<i32>} : memref<80xi32, #tpu.memory_space<vmem>>, vector<16xi32>,
      %swap3A_679 = arith.constant 48 : index
      %swap3A_680 = tpu.vector_load %arg10[%swap3A_679] {strides = array<i32>} : memref<80xi32, #tpu.memory_space<vmem>>, vector<16xi32>,
      %swap3A_681 = vector.shape_cast %swap3A_680 : vector<16xi32> to vector<16xi32>
      %swap3A_682 = vector.shape_cast %shift_right_logical3A_670 : vector<16xi32> to vector<16xi32>
      tpu.vector_store %arg10[%swap3A_679], %swap3A_682 {strides = array<i32>} : memref<80xi32, #tpu.memory_space<vmem>>, vector<16xi32>,
      %add3A_683 = arith.constant 64 : i32
      %add3A_684 = arith.addi %mul3A_590, %add3A_683 : i32
      %get3A_685 = arith.index_cast %add3A_684 : i32 to index
      %get3A_686 = tpu.vector_load %arg5[%get3A_685] {strides = array<i32>} : memref<10000xi32, #tpu.memory_space<vmem>>, vector<16xi32>,
      %get3A_687 = vector.shape_cast %get3A_686 : vector<16xi32> to vector<16xi32>
      %broadcast_in_dim3A_688 = arith.constant 65535 : i32
      %broadcast_in_dim3A_689 = vector.broadcast %broadcast_in_dim3A_688 : i32 to vector<16xi32>
      %and3A_690 = arith.andi %get3A_687, %broadcast_in_dim3A_689 : vector<16xi32>
      %broadcast_in_dim3A_691 = arith.constant 16 : i32
      %broadcast_in_dim3A_692 = vector.broadcast %broadcast_in_dim3A_691 : i32 to vector<16xi32>
      %shift_right_logical3A_693 = arith.shrui %get3A_687, %broadcast_in_dim3A_692 : vector<16xi32>
      %eq3A_694 = arith.cmpi eq, %and3A_690, %shift_right_logical3A_693 : vector<16xi32>
      %broadcast_in_dim3A_695 = arith.constant 10000 : i32
      %broadcast_in_dim3A_696 = vector.broadcast %broadcast_in_dim3A_695 : i32 to vector<16xi32>
      %select_n3A_697 = arith.select %eq3A_694, %broadcast_in_dim3A_696, %and3A_690 : vector<16xi1>, vector<16xi32>
      %swap3A_698 = arith.constant 64 : index
      %swap3A_699 = tpu.vector_load %arg9[%swap3A_698] {strides = array<i32>} : memref<80xi32, #tpu.memory_space<vmem>>, vector<16xi32>,
      %swap3A_700 = vector.shape_cast %swap3A_699 : vector<16xi32> to vector<16xi32>
      %swap3A_701 = vector.shape_cast %select_n3A_697 : vector<16xi32> to vector<16xi32>
      tpu.vector_store %arg9[%swap3A_698], %swap3A_701 {strides = array<i32>} : memref<80xi32, #tpu.memory_space<vmem>>, vector<16xi32>,
      %swap3A_702 = arith.constant 64 : index
      %swap3A_703 = tpu.vector_load %arg10[%swap3A_702] {strides = array<i32>} : memref<80xi32, #tpu.memory_space<vmem>>, vector<16xi32>,
      %swap3A_704 = vector.shape_cast %swap3A_703 : vector<16xi32> to vector<16xi32>
      %swap3A_705 = vector.shape_cast %shift_right_logical3A_693 : vector<16xi32> to vector<16xi32>
      tpu.vector_store %arg10[%swap3A_702], %swap3A_705 {strides = array<i32>} : memref<80xi32, #tpu.memory_space<vmem>>, vector<16xi32>,
      %dma_start3A_706 = arith.constant 0 : i32
      %dma_start3A_707 = arith.constant 0 : i32
      %dma_start3A_708 = tpu.memref_slice %arg2[%dma_start3A_706, %dma_start3A_707] : memref<10016x128xf32, #tpu.memory_space<hbm>> -> memref<10016x128xf32, #tpu.memory_space<hbm>>
      tpu.enqueue_indirect_dma source(%dma_start3A_708 : memref<10016x128xf32, #tpu.memory_space<hbm>>) target(%arg11 : memref<80x128xf32, #tpu.memory_space<vmem>>) offsets(%arg9 : memref<80xi32, #tpu.memory_space<vmem>>) semaphore(%arg17 : memref<!tpu.dma_semaphore, #tpu.memory_space<semaphore_mem>>)
      %dma_wait3A_709 = arith.constant 0 : i32
      %dma_wait3A_710 = arith.constant 0 : i32
      %dma_wait3A_711 = tpu.memref_slice %arg2[%dma_wait3A_709, %dma_wait3A_710] : memref<10016x128xf32, #tpu.memory_space<hbm>> -> memref<10016x128xf32, #tpu.memory_space<hbm>>
      tpu.wait_indirect_dma semaphore(%arg18 : memref<!tpu.dma_semaphore, #tpu.memory_space<semaphore_mem>>) src(%dma_wait3A_711 : memref<10016x128xf32, #tpu.memory_space<hbm>>) dst(%arg14 : memref<80x128xf32, #tpu.memory_space<vmem>>)
      "tpu.region"() ({
        %run_scoped3A = tpu.sem_alloc : memref<!tpu.dma_semaphore, #tpu.memory_space<semaphore_mem>>
        %dma_start3A_712 = arith.constant 0 : i32
        %dma_start3A_713 = arith.constant 0 : i32
        %dma_start3A_714 = tpu.memref_slice %arg15[%dma_start3A_712, %dma_start3A_713] : memref<10240x128xf32, #tpu.memory_space<vmem_shared>> -> memref<10240x128xf32, #tpu.memory_space<vmem_shared>>
        tpu.enqueue_indirect_dma source(%arg14 : memref<80x128xf32, #tpu.memory_space<vmem>>) target(%dma_start3A_714 : memref<10240x128xf32, #tpu.memory_space<vmem_shared>>) offsets(%arg13 : memref<80xi32, #tpu.memory_space<vmem>>) semaphore(%run_scoped3A : memref<!tpu.dma_semaphore, #tpu.memory_space<semaphore_mem>>) {add = true}
        %dma_wait3A_715 = arith.constant 0 : i32
        %dma_wait3A_716 = arith.constant 0 : i32
        %dma_wait3A_717 = tpu.memref_slice %arg15[%dma_wait3A_715, %dma_wait3A_716] : memref<10240x128xf32, #tpu.memory_space<vmem_shared>> -> memref<10240x128xf32, #tpu.memory_space<vmem_shared>>
        tpu.wait_indirect_dma semaphore(%run_scoped3A : memref<!tpu.dma_semaphore, #tpu.memory_space<semaphore_mem>>) src(%arg14 : memref<80x128xf32, #tpu.memory_space<vmem>>) dst(%dma_wait3A_717 : memref<10240x128xf32, #tpu.memory_space<vmem_shared>>)
        tpu.yield
      }) : () -> ()
    }
    %scan3A_322 = arith.constant 41 : i32
    %dma_wait3A_323 = arith.constant 0 : i32
    %dma_wait3A_324 = arith.constant 0 : i32
    %dma_wait3A_325 = tpu.memref_slice %arg2[%dma_wait3A_323, %dma_wait3A_324] : memref<10016x128xf32, #tpu.memory_space<hbm>> -> memref<10016x128xf32, #tpu.memory_space<hbm>>
    tpu.wait_indirect_dma semaphore(%arg16 : memref<!tpu.dma_semaphore, #tpu.memory_space<semaphore_mem>>) src(%dma_wait3A_325 : memref<10016x128xf32, #tpu.memory_space<hbm>>) dst(%arg8 : memref<80x128xf32, #tpu.memory_space<vmem>>)
    "tpu.region"() ({
      %run_scoped3A = tpu.sem_alloc : memref<!tpu.dma_semaphore, #tpu.memory_space<semaphore_mem>>
      %dma_start3A_330 = arith.constant 0 : i32
      %dma_start3A_331 = arith.constant 0 : i32
      %dma_start3A_332 = tpu.memref_slice %arg15[%dma_start3A_330, %dma_start3A_331] : memref<10240x128xf32, #tpu.memory_space<vmem_shared>> -> memref<10240x128xf32, #tpu.memory_space<vmem_shared>>
      tpu.enqueue_indirect_dma source(%arg8 : memref<80x128xf32, #tpu.memory_space<vmem>>) target(%dma_start3A_332 : memref<10240x128xf32, #tpu.memory_space<vmem_shared>>) offsets(%arg7 : memref<80xi32, #tpu.memory_space<vmem>>) semaphore(%run_scoped3A : memref<!tpu.dma_semaphore, #tpu.memory_space<semaphore_mem>>) {add = true}
      %dma_wait3A_333 = arith.constant 0 : i32
      %dma_wait3A_334 = arith.constant 0 : i32
      %dma_wait3A_335 = tpu.memref_slice %arg15[%dma_wait3A_333, %dma_wait3A_334] : memref<10240x128xf32, #tpu.memory_space<vmem_shared>> -> memref<10240x128xf32, #tpu.memory_space<vmem_shared>>
      tpu.wait_indirect_dma semaphore(%run_scoped3A : memref<!tpu.dma_semaphore, #tpu.memory_space<semaphore_mem>>) src(%arg8 : memref<80x128xf32, #tpu.memory_space<vmem>>) dst(%dma_wait3A_335 : memref<10240x128xf32, #tpu.memory_space<vmem_shared>>)
      tpu.yield
    }) : () -> ()
    %dma_wait3A_326 = arith.constant 0 : i32
    %dma_wait3A_327 = arith.constant 0 : i32
    %dma_wait3A_328 = tpu.memref_slice %arg2[%dma_wait3A_326, %dma_wait3A_327] : memref<10016x128xf32, #tpu.memory_space<hbm>> -> memref<10016x128xf32, #tpu.memory_space<hbm>>
    tpu.wait_indirect_dma semaphore(%arg17 : memref<!tpu.dma_semaphore, #tpu.memory_space<semaphore_mem>>) src(%dma_wait3A_328 : memref<10016x128xf32, #tpu.memory_space<hbm>>) dst(%arg11 : memref<80x128xf32, #tpu.memory_space<vmem>>)
    "tpu.region"() ({
      %run_scoped3A = tpu.sem_alloc : memref<!tpu.dma_semaphore, #tpu.memory_space<semaphore_mem>>
      %dma_start3A_330 = arith.constant 0 : i32
      %dma_start3A_331 = arith.constant 0 : i32
      %dma_start3A_332 = tpu.memref_slice %arg15[%dma_start3A_330, %dma_start3A_331] : memref<10240x128xf32, #tpu.memory_space<vmem_shared>> -> memref<10240x128xf32, #tpu.memory_space<vmem_shared>>
      tpu.enqueue_indirect_dma source(%arg11 : memref<80x128xf32, #tpu.memory_space<vmem>>) target(%dma_start3A_332 : memref<10240x128xf32, #tpu.memory_space<vmem_shared>>) offsets(%arg10 : memref<80xi32, #tpu.memory_space<vmem>>) semaphore(%run_scoped3A : memref<!tpu.dma_semaphore, #tpu.memory_space<semaphore_mem>>) {add = true}
      %dma_wait3A_333 = arith.constant 0 : i32
      %dma_wait3A_334 = arith.constant 0 : i32
      %dma_wait3A_335 = tpu.memref_slice %arg15[%dma_wait3A_333, %dma_wait3A_334] : memref<10240x128xf32, #tpu.memory_space<vmem_shared>> -> memref<10240x128xf32, #tpu.memory_space<vmem_shared>>
      tpu.wait_indirect_dma semaphore(%run_scoped3A : memref<!tpu.dma_semaphore, #tpu.memory_space<semaphore_mem>>) src(%arg11 : memref<80x128xf32, #tpu.memory_space<vmem>>) dst(%dma_wait3A_335 : memref<10240x128xf32, #tpu.memory_space<vmem_shared>>)
      tpu.yield
    }) : () -> ()
    %barrier3A_329 = arith.constant 0 : index
    tpu.barrier barrier_id(%barrier3A_329)
    "tpu.region"() ({
      %run_scoped3A = tpu.sem_alloc : memref<!tpu.dma_semaphore, #tpu.memory_space<semaphore_mem>>
      %dma_start3A_330 = arith.constant 0 : i32
      %dma_start3A_331 = tpu.memref_slice %arg4[%arg0, %mul3A_2, %dma_start3A_330] : memref<2x10240x128xf32, #tpu.memory_space<hbm>> -> memref<1x640x128xf32, #tpu.memory_space<hbm>>
      %dma_start3A_332 = tpu.memref_squeeze %dma_start3A_331 : memref<1x640x128xf32, #tpu.memory_space<hbm>> -> memref<640x128xf32, #tpu.memory_space<hbm>>
      %dma_start3A_333 = arith.constant 0 : i32
      %dma_start3A_334 = tpu.memref_slice %arg15[%mul3A_2, %dma_start3A_333] : memref<10240x128xf32, #tpu.memory_space<vmem_shared>> -> memref<640x128xf32, #tpu.memory_space<vmem_shared>>
      tpu.enqueue_dma source(%dma_start3A_334 : memref<640x128xf32, #tpu.memory_space<vmem_shared>>) target(%dma_start3A_332 : memref<640x128xf32, #tpu.memory_space<hbm>>) target_semaphore(%run_scoped3A : memref<!tpu.dma_semaphore, #tpu.memory_space<semaphore_mem>>)
      %dma_wait3A_335 = arith.constant 0 : i32
      %dma_wait3A_336 = tpu.memref_slice %arg4[%arg0, %mul3A_2, %dma_wait3A_335] : memref<2x10240x128xf32, #tpu.memory_space<hbm>> -> memref<1x640x128xf32, #tpu.memory_space<hbm>>
      %dma_wait3A_337 = tpu.memref_squeeze %dma_wait3A_336 : memref<1x640x128xf32, #tpu.memory_space<hbm>> -> memref<640x128xf32, #tpu.memory_space<hbm>>
      %dma_wait3A_338 = arith.constant 0 : i32
      %dma_wait3A_339 = tpu.memref_slice %arg15[%mul3A_2, %dma_wait3A_338] : memref<10240x128xf32, #tpu.memory_space<vmem_shared>> -> memref<640x128xf32, #tpu.memory_space<vmem_shared>>
      tpu.wait_dma2 semaphore(%run_scoped3A : memref<!tpu.dma_semaphore, #tpu.memory_space<semaphore_mem>>) src(%dma_wait3A_339 : memref<640x128xf32, #tpu.memory_space<vmem_shared>>) dst(%dma_wait3A_337 : memref<640x128xf32, #tpu.memory_space<hbm>>)
      tpu.yield
    }) : () -> ()
    return
  }
}

module attributes {stable_mosaic.version = 14 : i64} {
  func.func @_combine_body(%arg0: i32, %arg1: memref<2x2000x128xf32, #tpu.memory_space<vmem>>, %arg2: memref<2000x128xf32, #tpu.memory_space<vmem>>, %arg3: memref<1x64xf32, #tpu.memory_space<vmem>>, %arg4: memref<2000x64xf32, #tpu.memory_space<vmem>>) attributes {dimension_semantics = [#tpu.dimension_semantics<arbitrary>], iteration_bounds = array<i64: 5>, scalar_prefetch = 0 : i64, scratch_operands = 0 : i64, tpu.core_type = #tpu.core_type<tc>, window_params = [{transform_indices = @transform_0, window_bounds = array<i64: 2, 2000, 128>}, {transform_indices = @transform_1, window_bounds = array<i64: 2000, 128>}, {pipeline_mode = #tpu.pipeline_mode<synchronous>, transform_indices = @transform_2, window_bounds = array<i64: 1, 64>}, {transform_indices = @transform_3, window_bounds = array<i64: 2000, 64>}]} {
    %get3A = arith.constant 0 : index
    %get3A_0 = arith.constant 0 : index
    %get3A_1 = arith.constant 0 : index
    %get3A_2 = vector.load %arg1[%get3A, %get3A_0, %get3A_1] : memref<2x2000x128xf32, #tpu.memory_space<vmem>>, vector<1x2000x128xf32>
    %get3A_3 = vector.shape_cast %get3A_2 : vector<1x2000x128xf32> to vector<2000x128xf32>
    %get3A_4 = arith.constant 1 : index
    %get3A_5 = arith.constant 0 : index
    %get3A_6 = arith.constant 0 : index
    %get3A_7 = vector.load %arg1[%get3A_4, %get3A_5, %get3A_6] : memref<2x2000x128xf32, #tpu.memory_space<vmem>>, vector<1x2000x128xf32>
    %get3A_8 = vector.shape_cast %get3A_7 : vector<1x2000x128xf32> to vector<2000x128xf32>
    %add3A = arith.addf %get3A_3, %get3A_8 : vector<2000x128xf32>
    %slice3A = vector.extract_strided_slice %add3A {offsets = [0, 0], sizes = [2000, 64], strides = [1, 1]} : vector<2000x128xf32> to vector<2000x64xf32>
    %get3A_9 = arith.constant 0 : index
    %get3A_10 = arith.constant 0 : index
    %get3A_11 = vector.load %arg2[%get3A_9, %get3A_10] : memref<2000x128xf32, #tpu.memory_space<vmem>>, vector<2000x64xf32>
    %add3A_12 = arith.addf %slice3A, %get3A_11 : vector<2000x64xf32>
    %slice3A_13 = vector.extract_strided_slice %add3A {offsets = [0, 64], sizes = [2000, 1], strides = [1, 1]} : vector<2000x128xf32> to vector<2000x1xf32>
    %add3A_14 = arith.constant 1.000000e+00 : f32
    %add3A_15 = vector.broadcast %add3A_14 : f32 to vector<2000x1xf32>
    %add3A_16 = arith.addf %slice3A_13, %add3A_15 : vector<2000x1xf32>
    %div3A = vector.broadcast %add3A_16 : vector<2000x1xf32> to vector<2000x64xf32>
    %div3A_17 = arith.divf %add3A_12, %div3A : vector<2000x64xf32>
    %get3A_18 = arith.constant 0 : index
    %get3A_19 = arith.constant 0 : index
    %get3A_20 = vector.load %arg3[%get3A_18, %get3A_19] : memref<1x64xf32, #tpu.memory_space<vmem>>, vector<1x64xf32>
    %add3A_21 = vector.broadcast %get3A_20 : vector<1x64xf32> to vector<2000x64xf32>
    %add3A_22 = arith.addf %div3A_17, %add3A_21 : vector<2000x64xf32>
    %swap3A = arith.constant 0 : index
    %swap3A_23 = arith.constant 0 : index
    %swap3A_24 = vector.load %arg4[%swap3A, %swap3A_23] : memref<2000x64xf32, #tpu.memory_space<vmem>>, vector<2000x64xf32>
    tpu.vector_store %arg4[%swap3A, %swap3A_23], %add3A_22 {strides = array<i32>} : memref<2000x64xf32, #tpu.memory_space<vmem>>, vector<2000x64xf32>,
    return
  }
  func.func @transform_0(%arg0: i32) -> (i32, i32, i32) {
    %c0_i32 = arith.constant 0 : i32
    %c0_i32_0 = arith.constant 0 : i32
    %c0_i32_1 = arith.constant 0 : i32
    return %c0_i32, %arg0, %c0_i32_0 : i32, i32, i32
  }
  func.func @transform_1(%arg0: i32) -> (i32, i32) {
    %c0_i32 = arith.constant 0 : i32
    %c0_i32_0 = arith.constant 0 : i32
    return %arg0, %c0_i32 : i32, i32
  }
  func.func @transform_2(%arg0: i32) -> (i32, i32) {
    %c0_i32 = arith.constant 0 : i32
    %c0_i32_0 = arith.constant 0 : i32
    %c0_i32_1 = arith.constant 0 : i32
    return %c0_i32, %c0_i32_0 : i32, i32
  }
  func.func @transform_3(%arg0: i32) -> (i32, i32) {
    %c0_i32 = arith.constant 0 : i32
    %c0_i32_0 = arith.constant 0 : i32
    return %arg0, %c0_i32 : i32, i32
  }
}

module attributes {stable_mosaic.version = 14 : i64} {
  func.func @_mm_body(%arg0: i32, %arg1: memref<2504x128xf32, #tpu.memory_space<vmem>>, %arg2: memref<64x128xf32, #tpu.memory_space<vmem>>, %arg3: memref<2504x128xf32, #tpu.memory_space<vmem>>) attributes {dimension_semantics = [#tpu.dimension_semantics<arbitrary>], iteration_bounds = array<i64: 4>, scalar_prefetch = 0 : i64, scratch_operands = 0 : i64, tpu.core_type = #tpu.core_type<tc>, window_params = [{transform_indices = @transform_0, window_bounds = array<i64: 2504, 128>}, {pipeline_mode = #tpu.pipeline_mode<synchronous>, transform_indices = @transform_1, window_bounds = array<i64: 64, 128>}, {transform_indices = @transform_2, window_bounds = array<i64: 2504, 128>}]} {
    %get3A = arith.constant 0 : index
    %get3A_0 = arith.constant 0 : index
    %get3A_1 = vector.load %arg1[%get3A, %get3A_0] : memref<2504x128xf32, #tpu.memory_space<vmem>>, vector<2504x128xf32>
    %get3A_2 = arith.constant 0 : index
    %get3A_3 = arith.constant 0 : index
    %get3A_4 = vector.load %arg2[%get3A_2, %get3A_3] : memref<64x128xf32, #tpu.memory_space<vmem>>, vector<64x128xf32>
    %dot_general3A = arith.constant dense<0.000000e+00> : vector<2504x64xf32>
    %dot_general3A_5 = tpu.matmul %get3A_1, %get3A_4, %dot_general3A {dimension_numbers = #tpu.dot_dimension_numbers<[1], [1], [0], [0], [0, 0, 1, 0], [], []>, transpose_lhs_hint = false} : vector<2504x128xf32>, vector<64x128xf32>, vector<2504x64xf32> -> vector<2504x64xf32>
    %mul3A = arith.constant 2504 : i32
    %mul3A_6 = arith.muli %arg0, %mul3A : i32
    %iota3A = tpu.iota {dimensions = array<i32: 0>} : vector<2504x1xi32>
    %add3A = vector.broadcast %mul3A_6 : i32 to vector<2504x1xi32>
    %add3A_7 = arith.addi %add3A, %iota3A : vector<2504x1xi32>
    %lt3A = arith.constant 10000 : i32
    %lt3A_8 = vector.broadcast %lt3A : i32 to vector<2504x1xi32>
    %lt3A_9 = arith.cmpi slt, %add3A_7, %lt3A_8 : vector<2504x1xi32>
    %convert_element_type3A = arith.extui %lt3A_9 : vector<2504x1xi1> to vector<2504x1xi32>
    %convert_element_type3A_10 = arith.sitofp %convert_element_type3A : vector<2504x1xi32> to vector<2504x1xf32>
    %broadcast_in_dim3A = arith.constant 0.000000e+00 : f32
    %broadcast_in_dim3A_11 = vector.broadcast %broadcast_in_dim3A : f32 to vector<2504x63xf32>
    %concatenate3A = tpu.concatenate %dot_general3A_5, %convert_element_type3A_10, %broadcast_in_dim3A_11 in 1 : vector<2504x64xf32>, vector<2504x1xf32>, vector<2504x63xf32> -> vector<2504x128xf32>
    %swap3A = arith.constant 0 : index
    %swap3A_12 = arith.constant 0 : index
    %swap3A_13 = vector.load %arg3[%swap3A, %swap3A_12] : memref<2504x128xf32, #tpu.memory_space<vmem>>, vector<2504x128xf32>
    tpu.vector_store %arg3[%swap3A, %swap3A_12], %concatenate3A {strides = array<i32>} : memref<2504x128xf32, #tpu.memory_space<vmem>>, vector<2504x128xf32>,
    return
  }
  func.func @transform_0(%arg0: i32) -> (i32, i32) {
    %c0_i32 = arith.constant 0 : i32
    %c0_i32_0 = arith.constant 0 : i32
    return %arg0, %c0_i32 : i32, i32
  }
  func.func @transform_1(%arg0: i32) -> (i32, i32) {
    %c0_i32 = arith.constant 0 : i32
    %c0_i32_0 = arith.constant 0 : i32
    %c0_i32_1 = arith.constant 0 : i32
    return %c0_i32, %c0_i32_0 : i32, i32
  }
  func.func @transform_2(%arg0: i32) -> (i32, i32) {
    %c0_i32 = arith.constant 0 : i32
    %c0_i32_0 = arith.constant 0 : i32
    return %arg0, %c0_i32 : i32, i32
  }
}

</mosaic_0001>

<sc_bundles>
// kernel: kernel.5.cloned.1.call-start
scs
__scs_entry_jumppad:
0x0: {  	(pc) =	sbr.rel $0x88, $3  }
0x1: {  	(tag) =	ssettag $0x0;
	lr =	simm.s32 $0x1  }
0x2: {  	[smem:$0x3F9D] =	sst lr;
	_ =	strace $0xD0000000  }
0x3: {  	_ = 	snop  }
0x4: {  	_ = 	snop  }
0x5: {  	_ = 	snop  }
0x6: {  	_ = 	snop  }
0x7: {  	_ = 	snop  }
__scs_overlays_trampoline_lowered:
0x8: {  	[smem:$0x3FAC] =	sst s0  }
0x9: {  	[smem:$0x3FAD] =	sst s1  }
0xa: {  	[smem:$0x3FAE] =	sst s2  }
0xb: {  	[smem:$0x3FAF] =	sst s3  }
0xc: {  	[smem:$0x3FB0] =	sst s4  }
0xd: {  	[smem:$0x3FB1] =	sst s5  }
0xe: {  	[smem:$0x3FB2] =	sst s6  }
0xf: {  	[smem:$0x3FB3] =	sst s7  }
0x10: {  	[smem:$0x3FB4] =	sst s8  }
0x11: {  	[smem:$0x3FB5] =	sst s9;
	s0 =	simm.s32 @!p0 $0x0  }
0x12: {  	s1 =	sld [smem:$0x3F9B];
	s0 =	simm.s32 @p0 $0x1  }
0x13: {  	[smem:$0x3FB6] =	sst s0;
	s0 =	simm.s32 @!p1 $0x0  }
0x14: {  	s2 =	sld [smem:$0x3F9A];
	s0 =	simm.s32 @p1 $0x1  }
0x15: {  	[smem:$0x3FB7] =	sst s0;
	s0 =	simm.s32 @!p2 $0x0  }
0x16: {  	s3 =	sld [smem:$0x3FDB];
	s0 =	simm.s32 @p2 $0x1  }
0x17: {  	s4 =	simm.s32 $0x1BF5;
	[smem:$0x3FB9] =	sst s0  }
0x18: {  	s0 =	sld [smem:$0x3F9C];
	_ =	swait.ge [sflag:s4], $0x0  }
0x19: {  	s7 =	sld [smem:$0x3F9D]  }
0x1a: {  	s8 =	sadd.s32 $0xFFFFE003, lr  }
0x1b: {  	s9 =	sadd.s32 $0xFFFFFEF7, lr;
	s5 =	simm.s32 $0xFFFFFFFF;
	p2 =	slt.u32 s8, $0xFFFFF086  }
0x1c: {  	p1 =	slt.u32 s9, $0xF7A;
	s5 =	simm.s32 @!p2 $0x0  }
0x1d: {  	s5 =	simm.s32 @p1 $0x1;
	p0 =	seq.s32 s7, s2  }
0x1e: {  	s7 =	smul.u32 @!p0 $0xF7A, s2;
	p2 =	seq.s32 @!p0 s5, $0x0  }
0x1f: {  	s9 =	smul.u32 $0xF7A, s1;
	s8 =	simm.s32 @!p0 $0x1BF5;
	p2 =	por !p2, p0  }
0x20: {  	[sflag:s8] =	ssyncset.s32 @!p0 $0xFFFFF086;
	s6 =	sadd.s32 @!p0 s3, s7;
	s7 =	simm.s32 @!p0 $0x108  }
0x21: {  	s3 =	sadd.s32 s3, s9;
	s6 =	sadd.s32 @!p0 $0x88, s6;
	s7 =	simm.s32 @p2 $0x1082  }
0x22: {  	[simem:s7], [sflag:s8] =	dma.local @!p0 [hbm:s6], $0xF7A  }
0x23: {  	s9 =	sor.u32 $0xD0000000, s2;
	s6 =	simm.s32 $0x108;
	_ =	swait.ge @!p0 [sflag:s8], $0x0  }
0x24: {  	s3 =	sadd.s32 $0x88, s3;
	s6 =	simm.s32 @!p1 $0x1082;
	[sflag:s4] =	ssyncset.s32 $0xFFFFF086  }
0x25: {  	[simem:s6], [sflag:s4] =	dma.local [hbm:s3], $0xF7A  }
0x26: {  	[smem:$0x3F9D] =	sst s1;
	(tag) =	ssettag s2;
	_ =	strace s9  }
0x27: {  	s1 =	sld [smem:$0x3FAD]  }
0x28: {  	s2 =	sld [smem:$0x3FAE]  }
0x29: {  	s4 =	sld [smem:$0x3FB0]  }
0x2a: {  	p0 =	seq.s32 s5, $0x0;
	s5 =	sld [smem:$0x3FB1]  }
0x2b: {  	s6 =	sld [smem:$0x3FB2]  }
0x2c: {  	s7 =	sld [smem:$0x3FB3]  }
0x2d: {  	s3 =	simm.s32 $0x108;
	s8 =	sld [smem:$0x3FB4]  }
0x2e: {  	s3 =	simm.s32 @!p0 $0x1082;
	s9 =	sld [smem:$0x3FB5]  }
0x2f: {  	lr =	sadd.s32 s0, s3;
	s0 =	sld [smem:$0x3FAC]  }
0x30: {  	s3 =	sld [smem:$0x3FAF]  }
0x31: {  	[smem:$0x3FB8] =	sst s10  }
0x32: {  	s10 =	sld [smem:$0x3FB6];
	_ =	sdelay $0x3  }
0x33: {  	p0 =	seq.s32 s10, $0x1;
	s10 =	sld [smem:$0x3FB8];
	_ =	sdelay $0x3  }
0x34: {  	[smem:$0x3FB8] =	sst s10  }
0x35: {  	s10 =	sld [smem:$0x3FB7];
	_ =	sdelay $0x3  }
0x36: {  	p1 =	seq.s32 s10, $0x1;
	s10 =	sld [smem:$0x3FB8];
	_ =	sdelay $0x3  }
0x37: {  	[smem:$0x3FB8] =	sst s10  }
0x38: {  	s10 =	sld [smem:$0x3FB9]  }
0x39: {  	_ = 	snop;
	(pc) =	sbr.ind lr, $3  }
0x3a: {  	_ = 	snop  }
0x3b: {  	_ = 	snop  }
0x3c: {  	p2 =	seq.s32 s10, $0x1;
	s10 =	sld [smem:$0x3FB8]  }
0x3d: {  	_ =	shalt  }
0x3e: {  	_ =	shalt  }
0x3f: {  	_ =	shalt  }
0x40: {  	_ =	shalt  }
0x41: {  	_ =	shalt  }
0x42: {  	_ =	shalt  }
0x43: {  	_ =	shalt  }
0x44: {  	_ =	shalt  }
0x45: {  	_ =	shalt  }
0x46: {  	_ =	shalt  }
0x47: {  	_ =	shalt  }
0x48: {  	_ =	shalt  }
0x49: {  	_ =	shalt  }
0x4a: {  	_ =	shalt  }
0x4b: {  	_ =	shalt  }
0x4c: {  	_ =	shalt  }
0x4d: {  	_ =	shalt  }
0x4e: {  	_ =	shalt  }
0x4f: {  	_ =	shalt  }
0x50: {  	_ =	shalt  }
0x51: {  	_ =	shalt  }
0x52: {  	_ =	shalt  }
0x53: {  	_ =	shalt  }
0x54: {  	_ =	shalt  }
0x55: {  	_ =	shalt  }
0x56: {  	_ =	shalt  }
0x57: {  	_ =	shalt  }
0x58: {  	_ =	shalt  }
0x59: {  	_ =	shalt  }
0x5a: {  	_ =	shalt  }
0x5b: {  	_ =	shalt  }
0x5c: {  	_ =	shalt  }
0x5d: {  	_ =	shalt  }
0x5e: {  	_ =	shalt  }
0x5f: {  	_ =	shalt  }
0x60: {  	_ =	shalt  }
0x61: {  	_ =	shalt  }
0x62: {  	_ =	shalt  }
0x63: {  	_ =	shalt  }
0x64: {  	_ =	shalt  }
0x65: {  	_ =	shalt  }
0x66: {  	_ =	shalt  }
0x67: {  	_ =	shalt  }
0x68: {  	_ =	shalt  }
0x69: {  	_ =	shalt  }
0x6a: {  	_ =	shalt  }
0x6b: {  	_ =	shalt  }
0x6c: {  	_ =	shalt  }
0x6d: {  	_ =	shalt  }
0x6e: {  	_ =	shalt  }
0x6f: {  	_ =	shalt  }
0x70: {  	_ =	shalt  }
0x71: {  	_ =	shalt  }
0x72: {  	_ =	shalt  }
0x73: {  	_ =	shalt  }
0x74: {  	_ =	shalt  }
0x75: {  	_ =	shalt  }
0x76: {  	_ =	shalt  }
0x77: {  	_ =	shalt  }
0x78: {  	_ =	shalt  }
0x79: {  	_ =	shalt  }
0x7a: {  	_ =	shalt  }
0x7b: {  	_ =	shalt  }
0x7c: {  	_ =	shalt  }
0x7d: {  	_ =	shalt  }
0x7e: {  	_ =	shalt  }
0x7f: {  	_ =	shalt  }
0x80: {  	_ =	shalt  }
0x81: {  	_ =	shalt  }
0x82: {  	_ =	shalt  }
0x83: {  	_ =	shalt  }
0x84: {  	_ =	shalt  }
0x85: {  	_ =	shalt  }
0x86: {  	_ =	shalt  }
0x87: {  	_ =	shalt  }
.Lfunc_end0:
.L_simem_size_0:
called_computation_lowered:
.L_overlay_start_0:
0x88: {  	s2 =	sld [smem:$0x3FD9]  }
0x89: {  	s3 =	sld [smem:$0x3FFE];
	_ =	sdelay $0x1  }
0x8a: {  	s1 =	srdreg.scid  }
0x8b: {  	s0 =	sand.u32 $0x1, s1  }
0x8c: {  	s17 =	sshll.u32 s0, $0xA;
	s2 =	sadd.s32 s3, s2  }
0x8d: {  	s2 =	sadd.s32 s2, s17  }
0x8e: {  	[smem:$0x3FC4] =	sst s2  }
0x8f: {  	_ = 	snop  }
0x90: {  	s2 =	sld [smem:$0x3FD0];
	(tm) =	ssettm $0x1  }
0x91: {  	s18 =	sld [smem:$0x3FFB];
	_ =	sdelay $0x3  }
0x92: {  	_ =	strace s18  }
0x93: {  	s3 =	sld [smem:$0x3FFC];
	_ =	sdelay $0x3  }
0x94: {  	_ =	strace s3  }
0x95: {  	s3 =	sld [smem:$0x3FFD];
	_ =	sdelay $0x3  }
0x96: {  	_ =	strace s3  }
0x97: {  	_ =	strace $0x8FFFFFFF  }
0x98: {  	s19 =	sld [smem:$0x3FDB];
	_ =	sdelay $0x1  }
0x99: {  	s4 =	simm.s32 $_scs_section_size  }
0x9a: {  	s5 =	simm.s32 $_size__tile_overlayer_lowered;
	s6 =	simm.s32 $_tile_overlayer_lowered  }
0x9b: {  	s22 =	simm.s32 $0x1BFF;
	s21 =	sshll.u32 s6, $0x1;
	s3 =	sadd.s32 s4, s19  }
0x9c: {  	s7 =	simm.s32 $0x0;
	s20 =	sshll.u32 s5, $0x1;
	s5 =	sadd.s32 s21, s3  }
0x9d: {  	[timem:s7], [sflag:s22] =	dma.local [hbm:s5], s20  }
0x9e: {  	_ =	swait.ge [sflag:s22], s20  }
0x9f: {  	s4 =	ssub.s32 $0x0, s20;
	[sflag:s22] =	ssyncset.done $0x0  }
0xa0: {  	[sflag:s22] =	ssyncadd.s32 s4;
	_ =	sdelay $0x1  }
0xa1: {  	s23 =	simm.s32 $0x1B8B  }
0xa2: {  	_ =	swait.ge [sflag:s23], $0x1  }
0xa3: {  	[sflag:s23] =	ssyncset.done $0x0  }
0xa4: {  	s25 =	simm.s32 $0x1B8E;
	s24 =	sld [smem:$0x3FFE];
	[sflag:s23] =	ssyncadd.s32 $0xFFFFFFFF  }
0xa5: {  	s26 =	simm.s32 $execute0_lowered;
	[smem:$0x3FD2] =	sst s25  }
0xa6: {  	s5 =	sshll.u32 s26, $0x1;
	_ =	strace $0x80000046;
	[dreg:$0x1] =	wrdreg $0xFFFFFFFF  }
0xa7: {  	s28 =	simm.s32 $_size_execute0_lowered;
	s3 =	sadd.s32 s3, s5;
	[dreg:$0x0] =	wrdreg $0x0  }
0xa8: {  	s5 =	sshll.u32 s28, $0x1;
	[dreg:$0x2] =	wrdreg s3  }
0xa9: {  	[dreg:$0x3] =	wrdreg s5  }
0xaa: {  	[dreg:$0x4] =	wrdreg $0xC0  }
0xab: {  	_ =	task [dreg:s7], $0x5FFFF  }
0xac: {  	[dreg:$0x1] =	wrdreg $0xFFFFFFFF  }
0xad: {  	[dreg:$0x0] =	wrdreg $0x60  }
0xae: {  	[dreg:$0x2] =	wrdreg s24  }
0xaf: {  	[dreg:$0x3] =	wrdreg s2  }
0xb0: {  	[dreg:$0x4] =	wrdreg $0xA2800  }
0xb1: {  	[dreg:$0x5] =	wrdreg $0x9  }
0xb2: {  	_ =	task.clear_ibuf [dreg:s7], $0x6FFFF;
	_ =	strace $0x90000046  }
0xb3: {  	s29 =	simm.s32 $0x9;
	_ =	strace $0x80000048  }
0xb4: {  	_ =	swait.ge [sflag:s29], $0x1  }
0xb5: {  	[sflag:s29] =	ssyncadd.s32 $0xFFFFFFFF  }
0xb6: {  	_ =	strace $0x90000048  }
0xb7: {  	_ =	sfence  }
0xb8: {  	s30 =	sld [smem:$0x0];
	_ =	sdelay $0x2  }
0xb9: {  	s31 =	sshll.u32 s1, $0xD;
	s1 =	sshrl.u32 s1, $0x2  }
0xba: {  	s3 =	sand.u32 $0x4000, s31;
	s1 =	sadd.s32 s1, s30  }
0xbb: {  	s0 =	sor.u32 s3, s0;
	s1 =	sshll.u32 s1, $0x11  }
0xbc: {  	s0 =	sor.u32 s1, s0  }
0xbd: {  	s0 =	sadd.s32 $0x8F2B, s0  }
0xbe: {  	[sflag:s0] =	ssyncadd.remote.s32 $0x1  }
0xbf: {  	_ =	sfence.sel $0xFFFF  }
0xc0: {  	[dreg:$0x0] =	wrdreg $0xFFFFFFFF;
	(pc) =	sbr.abs _section_cstart, $3  }
0xc1: {  	[dreg:$0x1] =	wrdreg $0xFFFFFFFF  }
0xc2: {  	_ =	task.clear_ibuf [dreg:s7], $0x2FFFF;
	_ =	strace $0x9FFFFFFF  }
0xc3: {  	(tm) =	ssettm $0x7FFFFFFF  }
tec
execute0_lowered:
.L_overlay_start_1:
0x0: {  	(tag) =	ssettag $0x1  }
0x1: {  	s0 =	rddreg [dreg:$0x0]  }
0x2: {  	s2 =	rddreg [dreg:$0x1]  }
0x3: {  	s1 =	rddreg [dreg:$0x2];
	s3 =	srdreg.scid;
	s4 =	simm.s32 $0x0  }
0x4: {  	s8 =	stileid.u32;
	s16 =	simm.s32 $0x2880;
	s17 =	simm.s32 $0x4  }
0x5: {  	s18 =	simm.s32 $0x5;
	s19 =	simm.s32 $0x1;
	s20 =	simm.s32 $0x50  }
0x6: {  	s21 =	simm.s32 $0x2780;
	s22 =	simm.s32 $0x5080;
	s23 =	simm.s32 $0x5180  }
0x7: {  	s28 =	simm.s32 $0x6;
	s29 =	simm.s32 $0x2;
	s30 =	simm.s32 $0x5100  }
0x8: {  	s31 =	simm.s32 $0x3;
	s3 =	sand.u32 $0x1, s3;
	s6 =	smul.u32 $0x14000, s8  }
0x9: {  	[smem:$0x7FF] =	sst s4;
	s4 =	sadd.s32 $0xA00, s0;
	s7 =	smul.u32 $0x50000, s8  }
0xa: {  	s5 =	smul.u32 $0x140000, s3;
	s24 =	sshll.u32 s3, $0x4;
	s3 =	ssub.s32 $0x2, s3  }
0xb: {  	_ =	strace $0x80000047;
	s25 =	sshrl.u32 s3, $0x1;
	s7 =	sshrl.u32 s7, $0x2  }
0xc: {  	s5 =	sadd.s32 s6, s5;
	s6 =	sor.u32 s8, s24;
	s3 =	ssub.s32 s3, s25  }
0xd: {  	s24 =	simm.s32 $0x7980;
	s25 =	simm.s32 $0x7A80;
	s6 =	smul.u32 $0x4E2, s6  }
0xe: {  	s5 =	sshrl.u32 s5, $0x3;
	s15 =	smax.u32 s3, $0x1;
	s3 =	simm.s32 $0x0  }
0xf: {  	s0 =	sadd.s32 s5, s0;
	s5 =	sadd.s32 s7, s1;
	s2 =	sadd.s32 s2, s6  }
0x10: {  	s26 =	sadd.s32 $0x2800, s5;
	s8 =	sadd.s32 $0x5000, s5;
	s9 =	sadd.s32 $0x7800, s5  }
0x11: {  	s10 =	sadd.s32 $0xA000, s5;
	s11 =	sadd.s32 $0xC800, s5;
	s12 =	sadd.s32 $0xF000, s5  }
0x12: {  	s13 =	sadd.s32 $0x11800, s5;
	s14 =	sadd.s32 $0x27C00, s0;
	[dreg:$0x4] =	wrdreg s2  }
0x13: {  	v0 =	vimm.f32 $0.0e+00;
	s0 =	simm.s32 $0x7A00;
	[dreg:$0x5] =	wrdreg s26;
	s26 =	simm.s32 $0x2800  }
.LBB2_1:
0x14: {  	s2 =	simm.s32 $0x0;
	s6 =	rddreg [dreg:$0x4]  }
0x15: {  	[tilespmem:s2], [sflag:$0x1] =	stream.linear.gather [hbm4b:s6+s2], $0x2710, $0x38;
	[tilespmem:$0x1E280] =	vst v63  }
0x16: {  	s2 =	simm.s32 $0x0;
	s6 =	simm.s32 $0x200  }
.LBB2_2:
0x17: {  	p0 =	sne.s32 s6, $0x9E00;
	[tilespmem:s2+$0x28F0] =	vst v0  }
0x18: {  	[tilespmem:s2+$0x2880] =	vst v0  }
0x19: {  	[tilespmem:s2+$0x2890] =	vst v0  }
.Ltmp0:
0x1a: {  	[tilespmem:s2+$0x28A0] =	vst v0;
	(pc) =	sbr.rel @p0 .LBB2_2-.Ltmp0, $4  }
0x1b: {  	[tilespmem:s2+$0x28B0] =	vst v0  }
0x1c: {  	[tilespmem:s2+$0x28C0] =	vst v0  }
0x1d: {  	[tilespmem:s2+$0x28D0] =	vst v0  }
0x1e: {  	[tilespmem:s2+$0x28E0] =	vst v0;
	s2 =	sshra.s32 s6, $0x2;
	s6 =	sadd.s32 $0x200, s6  }
0x1f: {  	[tilespmem:s2+$0x28F0] =	vst v0  }
0x20: {  	[tilespmem:s2+$0x2880] =	vst v0  }
0x21: {  	[tilespmem:s2+$0x2890] =	vst v0  }
0x22: {  	[tilespmem:s2+$0x28A0] =	vst v0  }
0x23: {  	[tilespmem:s2+$0x28B0] =	vst v0  }
0x24: {  	[tilespmem:s2+$0x28C0] =	vst v0  }
0x25: {  	[tilespmem:s2+$0x28D0] =	vst v0  }
0x26: {  	[tilespmem:s2+$0x28E0] =	vst v0  }
0x27: {  	[spmem:s5] =	stream.linear.scatter [tilespmem:s16], [sflag:$0x4], $0x2800, $0x38;
	[tilespmem:$0x1E280] =	vst v63  }
0x28: {  	s7 =	rddreg [dreg:$0x5]  }
0x29: {  	[spmem:s7] =	stream.linear.scatter [tilespmem:s16], [sflag:$0x5], $0x2800, $0x38;
	[tilespmem:$0x1E280] =	vst v63  }
0x2a: {  	_ =	swait.ge [sflag:s17], $0x2800  }
0x2b: {  	[sflag:s17] =	ssyncset.done $0x0  }
0x2c: {  	[sflag:s17] =	ssyncadd.s32 $0xFFFFD800  }
0x2d: {  	[spmem:s8] =	stream.linear.scatter [tilespmem:s16], [sflag:$0x4], $0x2800, $0x38;
	[tilespmem:$0x1E280] =	vst v63  }
0x2e: {  	_ =	swait.ge [sflag:s18], $0x2800  }
0x2f: {  	[sflag:s18] =	ssyncset.done $0x0  }
0x30: {  	[sflag:s18] =	ssyncadd.s32 $0xFFFFD800  }
0x31: {  	[spmem:s9] =	stream.linear.scatter [tilespmem:s16], [sflag:$0x5], $0x2800, $0x38;
	[tilespmem:$0x1E280] =	vst v63  }
0x32: {  	_ =	swait.ge [sflag:s17], $0x2800  }
0x33: {  	[sflag:s17] =	ssyncset.done $0x0  }
0x34: {  	[sflag:s17] =	ssyncadd.s32 $0xFFFFD800  }
0x35: {  	[spmem:s10] =	stream.linear.scatter [tilespmem:s16], [sflag:$0x4], $0x2800, $0x38;
	[tilespmem:$0x1E280] =	vst v63  }
0x36: {  	_ =	swait.ge [sflag:s18], $0x2800  }
0x37: {  	[sflag:s18] =	ssyncset.done $0x0  }
0x38: {  	[sflag:s18] =	ssyncadd.s32 $0xFFFFD800  }
0x39: {  	[spmem:s11] =	stream.linear.scatter [tilespmem:s16], [sflag:$0x5], $0x2800, $0x38;
	[tilespmem:$0x1E280] =	vst v63  }
0x3a: {  	_ =	swait.ge [sflag:s17], $0x2800  }
0x3b: {  	[sflag:s17] =	ssyncset.done $0x0  }
0x3c: {  	[sflag:s17] =	ssyncadd.s32 $0xFFFFD800  }
0x3d: {  	[spmem:s12] =	stream.linear.scatter [tilespmem:s16], [sflag:$0x4], $0x2800, $0x38;
	[tilespmem:$0x1E280] =	vst v63  }
0x3e: {  	_ =	swait.ge [sflag:s18], $0x2800  }
0x3f: {  	[sflag:s18] =	ssyncset.done $0x0  }
0x40: {  	[sflag:s18] =	ssyncadd.s32 $0xFFFFD800  }
0x41: {  	[spmem:s13] =	stream.linear.scatter [tilespmem:s16], [sflag:$0x5], $0x2800, $0x38;
	[tilespmem:$0x1E280] =	vst v63  }
0x42: {  	_ =	swait.ge [sflag:s17], $0x2800  }
0x43: {  	[sflag:s17] =	ssyncset.done $0x0  }
0x44: {  	[sflag:s17] =	ssyncadd.s32 $0xFFFFD800  }
0x45: {  	_ =	swait.ge [sflag:s18], $0x2800  }
0x46: {  	[sflag:s18] =	ssyncset.done $0x0  }
0x47: {  	[sflag:s18] =	ssyncadd.s32 $0xFFFFD800  }
0x48: {  	_ =	swait.ge [sflag:s19], $0x2710  }
0x49: {  	[sflag:s19] =	ssyncset.done $0x0  }
0x4a: {  	[sflag:s19] =	ssyncadd.s32 $0xFFFFD8F0  }
0x4b: {  	[bflag:$0x0] =	sbarrier.arrive $0xFFFF  }
0x4c: {  	v1 =	vld [tilespmem:$0x0]  }
0x4d: {  	v2 =	vld [tilespmem:$0x10]  }
0x4e: {  	v3 =	vld [tilespmem:$0x20]  }
0x4f: {  	v5 =	vld [tilespmem:$0x30]  }
0x50: {  	v57 =	vld [tilespmem:$0x40]  }
0x51: {  	v4 =	vand.u32 $0xFFFF, v1;
	v1 =	vshrl.u32 v1, $0x10  }
0x52: {  	v6 =	vand.u32 $0xFFFF, v2;
	v2 =	vshrl.u32 v2, $0x10;
	[tilespmem:$0x2800] =	vst v1  }
0x53: {  	v58 =	vand.u32 $0xFFFF, v3;
	v3 =	vshrl.u32 v3, $0x10;
	[tilespmem:$0x2810] =	vst v2  }
0x54: {  	vm4 =	veq.s32 v6, v2;
	v2 =	vand.u32 $0xFFFF, v5;
	v5 =	vshrl.u32 v5, $0x10;
	[tilespmem:$0x2820] =	vst v3  }
0x55: {  	vm5 =	veq.s32 v58, v3;
	v3 =	vshrl.u32 v57, $0x10;
	[tilespmem:$0x2830] =	vst v5  }
0x56: {  	vm0 =	veq.s32 v4, v1;
	v1 =	vsel vm4, $0x2710, v6;
	[tilespmem:$0x2840] =	vst v3  }
0x57: {  	vm6 =	veq.s32 v2, v5;
	[tilespmem:$0x2790] =	vst v1;
	v1 =	vsel vm5, $0x2710, v58  }
0x58: {  	v4 =	vsel vm0, $0x2710, v4;
	[tilespmem:$0x27A0] =	vst v1;
	v1 =	vsel vm6, $0x2710, v2;
	v2 =	vand.u32 $0xFFFF, v57  }
0x59: {  	[tilespmem:$0x2780] =	vst v4;
	vm7 =	veq.s32 v2, v3  }
0x5a: {  	[tilespmem:$0x27B0] =	vst v1;
	v1 =	vsel vm7, $0x2710, v2  }
0x5b: {  	[tilespmem:$0x27C0] =	vst v1  }
0x5c: {  	[tilespmem:s16], [sflag:$0x1] =	stream.indirect.gather [hbm4b:s4+s20], $0x80, s21, s20, $0xb8;
	[tilespmem:$0x1E280] =	vst v63  }
0x5d: {  	v1 =	vld [tilespmem:$0x50]  }
0x5e: {  	v2 =	vld [tilespmem:$0x60]  }
0x5f: {  	v3 =	vld [tilespmem:$0x70]  }
0x60: {  	v60 =	vld [tilespmem:$0x80]  }
0x61: {  	v62 =	vld [tilespmem:$0x90]  }
0x62: {  	v59 =	vand.u32 $0xFFFF, v1;
	v1 =	vshrl.u32 v1, $0x10  }
0x63: {  	v61 =	vand.u32 $0xFFFF, v2;
	v2 =	vshrl.u32 v2, $0x10;
	[tilespmem:$0x5100] =	vst v1  }
0x64: {  	v63 =	vand.u32 $0xFFFF, v3;
	v3 =	vshrl.u32 v3, $0x10;
	[tilespmem:$0x5110] =	vst v2  }
0x65: {  	v5 =	vshrl.u32 v60, $0x10;
	[tilespmem:$0x5120] =	vst v3  }
0x66: {  	vm9 =	veq.s32 v61, v2;
	vm10 =	veq.s32 v63, v3;
	v3 =	vshrl.u32 v62, $0x10;
	[tilespmem:$0x5130] =	vst v5  }
0x67: {  	vm8 =	veq.s32 v59, v1;
	v2 =	vand.u32 $0xFFFF, v60;
	v1 =	vsel vm9, $0x2710, v61;
	[tilespmem:$0x5140] =	vst v3  }
0x68: {  	vm11 =	veq.s32 v2, v5;
	[tilespmem:$0x5090] =	vst v1;
	v1 =	vsel vm10, $0x2710, v63  }
0x69: {  	v4 =	vsel vm8, $0x2710, v59;
	[tilespmem:$0x50A0] =	vst v1;
	v1 =	vsel vm11, $0x2710, v2;
	v2 =	vand.u32 $0xFFFF, v62  }
0x6a: {  	[tilespmem:$0x5080] =	vst v4;
	vm12 =	veq.s32 v2, v3  }
0x6b: {  	[tilespmem:$0x50B0] =	vst v1;
	v1 =	vsel vm12, $0x2710, v2  }
0x6c: {  	s2 =	simm.s32 $0xC0;
	[tilespmem:$0x50C0] =	vst v1  }
0x6d: {  	[tilespmem:s23], [sflag:$0x2] =	stream.indirect.gather [hbm4b:s4+s20], $0x80, s22, s20, $0xb8;
	[tilespmem:$0x1E280] =	vst v63  }
0x6e: {  	v1 =	vld [tilespmem:s2+$0xFFFFFFE0];
	_ =	sdelay $0x4  }
0x6f: {  	v2 =	vand.u32 $0xFFFF, v1;
	v1 =	vshrl.u32 v1, $0x10  }
0x70: {  	vm13 =	veq.s32 v2, v1  }
0x71: {  	[tilespmem:$0x7A00] =	vst v1;
	v2 =	vsel vm13, $0x2710, v2  }
0x72: {  	[tilespmem:$0x7980] =	vst v2  }
0x73: {  	v1 =	vld [tilespmem:s2+$0xFFFFFFF0];
	_ =	sdelay $0x4  }
0x74: {  	v2 =	vand.u32 $0xFFFF, v1;
	v1 =	vshrl.u32 v1, $0x10  }
0x75: {  	vm14 =	veq.s32 v2, v1  }
0x76: {  	[tilespmem:$0x7A10] =	vst v1;
	v2 =	vsel vm14, $0x2710, v2  }
0x77: {  	[tilespmem:$0x7990] =	vst v2  }
0x78: {  	v1 =	vld [tilespmem:s2+$0x0];
	_ =	sdelay $0x4  }
0x79: {  	v2 =	vand.u32 $0xFFFF, v1;
	v1 =	vshrl.u32 v1, $0x10  }
0x7a: {  	vm15 =	veq.s32 v2, v1  }
0x7b: {  	[tilespmem:$0x7A20] =	vst v1;
	v2 =	vsel vm15, $0x2710, v2  }
0x7c: {  	[tilespmem:$0x79A0] =	vst v2  }
0x7d: {  	v1 =	vld [tilespmem:s2+$0x10];
	_ =	sdelay $0x4  }
0x7e: {  	v2 =	vand.u32 $0xFFFF, v1;
	v1 =	vshrl.u32 v1, $0x10  }
0x7f: {  	vm4 =	veq.s32 v2, v1  }
0x80: {  	[tilespmem:$0x7A30] =	vst v1;
	v1 =	vsel vm4, $0x2710, v2  }
0x81: {  	[tilespmem:$0x79B0] =	vst v1  }
0x82: {  	v1 =	vld [tilespmem:s2+$0x20];
	_ =	sdelay $0x4  }
0x83: {  	v2 =	vand.u32 $0xFFFF, v1;
	v1 =	vshrl.u32 v1, $0x10  }
0x84: {  	vm5 =	veq.s32 v2, v1  }
0x85: {  	[tilespmem:$0x7A40] =	vst v1;
	v1 =	vsel vm5, $0x2710, v2  }
0x86: {  	[tilespmem:$0x79C0] =	vst v1  }
0x87: {  	[tilespmem:s25], [sflag:$0x3] =	stream.indirect.gather [hbm4b:s4+s20], $0x80, s24, s20, $0xb8;
	[tilespmem:$0x1E280] =	vst v63  }
0x88: {  	_ =	swait.ge [sflag:s19], $0x2800  }
0x89: {  	[sflag:s19] =	ssyncset.done $0x0  }
0x8a: {  	[sflag:s19] =	ssyncadd.s32 $0xFFFFD800  }
0x8b: {  	[spmem:s1] =	stream.indirect.scatter.add.f32 [tilespmem:s16], [sflag:$0x6], $0x80, s26, s20, $0xb8;
	[tilespmem:$0x1E280] =	vst v63  }
0x8c: {  	_ =	swait.ge [sflag:s28], $0x2800  }
0x8d: {  	[sflag:s28] =	ssyncset.done $0x0  }
0x8e: {  	[sflag:s28] =	ssyncadd.s32 $0xFFFFD800  }
0x8f: {  	v1 =	vld [tilespmem:s2+$0x30];
	_ =	sdelay $0x4  }
0x90: {  	v2 =	vand.u32 $0xFFFF, v1;
	v1 =	vshrl.u32 v1, $0x10  }
0x91: {  	vm6 =	veq.s32 v2, v1  }
0x92: {  	s6 =	simm.s32 $0x0;
	[tilespmem:$0x2800] =	vst v1;
	v2 =	vsel vm6, $0x2710, v2  }
0x93: {  	s6 =	sand.u32 $0x3FF0, s6;
	[tilespmem:$0x2780] =	vst v2  }
0x94: {  	v1 =	vld [tilespmem:s6+$0x100];
	_ =	sdelay $0x4  }
0x95: {  	v2 =	vand.u32 $0xFFFF, v1;
	v1 =	vshrl.u32 v1, $0x10  }
0x96: {  	vm7 =	veq.s32 v2, v1  }
0x97: {  	[tilespmem:$0x2810] =	vst v1;
	v1 =	vsel vm7, $0x2710, v2  }
0x98: {  	[tilespmem:$0x2790] =	vst v1  }
0x99: {  	v1 =	vld [tilespmem:s2+$0x50];
	_ =	sdelay $0x4  }
0x9a: {  	v2 =	vand.u32 $0xFFFF, v1;
	v1 =	vshrl.u32 v1, $0x10  }
0x9b: {  	vm8 =	veq.s32 v2, v1  }
0x9c: {  	[tilespmem:$0x2820] =	vst v1;
	v1 =	vsel vm8, $0x2710, v2  }
0x9d: {  	[tilespmem:$0x27A0] =	vst v1  }
0x9e: {  	v1 =	vld [tilespmem:s2+$0x60];
	_ =	sdelay $0x4  }
0x9f: {  	v2 =	vand.u32 $0xFFFF, v1;
	v1 =	vshrl.u32 v1, $0x10  }
0xa0: {  	vm9 =	veq.s32 v2, v1  }
0xa1: {  	[tilespmem:$0x2830] =	vst v1;
	v1 =	vsel vm9, $0x2710, v2  }
0xa2: {  	[tilespmem:$0x27B0] =	vst v1  }
0xa3: {  	v1 =	vld [tilespmem:s2+$0x70];
	_ =	sdelay $0x4  }
0xa4: {  	v2 =	vand.u32 $0xFFFF, v1;
	v1 =	vshrl.u32 v1, $0x10  }
0xa5: {  	vm10 =	veq.s32 v2, v1  }
0xa6: {  	[tilespmem:$0x2840] =	vst v1;
	v1 =	vsel vm10, $0x2710, v2  }
0xa7: {  	[tilespmem:$0x27C0] =	vst v1  }
0xa8: {  	[tilespmem:s16], [sflag:$0x1] =	stream.indirect.gather [hbm4b:s4+s20], $0x80, s21, s20, $0xb8;
	[tilespmem:$0x1E280] =	vst v63  }
0xa9: {  	_ =	swait.ge [sflag:s29], $0x2800  }
0xaa: {  	[sflag:s29] =	ssyncset.done $0x0  }
0xab: {  	[sflag:s29] =	ssyncadd.s32 $0xFFFFD800  }
0xac: {  	[spmem:s1] =	stream.indirect.scatter.add.f32 [tilespmem:s23], [sflag:$0x6], $0x80, s30, s20, $0xb8;
	[tilespmem:$0x1E280] =	vst v63  }
0xad: {  	_ =	swait.ge [sflag:s28], $0x2800  }
0xae: {  	[sflag:s28] =	ssyncset.done $0x0  }
0xaf: {  	[sflag:s28] =	ssyncadd.s32 $0xFFFFD800  }
0xb0: {  	v1 =	vld [tilespmem:s2+$0x80];
	_ =	sdelay $0x4  }
0xb1: {  	v2 =	vand.u32 $0xFFFF, v1;
	v1 =	vshrl.u32 v1, $0x10  }
0xb2: {  	vm11 =	veq.s32 v2, v1  }
0xb3: {  	[tilespmem:$0x5100] =	vst v1;
	v2 =	vsel vm11, $0x2710, v2  }
0xb4: {  	[tilespmem:$0x5080] =	vst v2  }
0xb5: {  	v1 =	vld [tilespmem:s2+$0x90];
	_ =	sdelay $0x4  }
0xb6: {  	v2 =	vand.u32 $0xFFFF, v1;
	v1 =	vshrl.u32 v1, $0x10  }
0xb7: {  	vm12 =	veq.s32 v2, v1  }
0xb8: {  	[tilespmem:$0x5110] =	vst v1;
	v1 =	vsel vm12, $0x2710, v2  }
0xb9: {  	[tilespmem:$0x5090] =	vst v1  }
0xba: {  	v1 =	vld [tilespmem:s2+$0xA0];
	_ =	sdelay $0x4  }
0xbb: {  	v2 =	vand.u32 $0xFFFF, v1;
	v1 =	vshrl.u32 v1, $0x10  }
0xbc: {  	vm13 =	veq.s32 v2, v1  }
0xbd: {  	[tilespmem:$0x5120] =	vst v1;
	v1 =	vsel vm13, $0x2710, v2  }
0xbe: {  	[tilespmem:$0x50A0] =	vst v1  }
0xbf: {  	v1 =	vld [tilespmem:s2+$0xB0];
	_ =	sdelay $0x4  }
0xc0: {  	v2 =	vand.u32 $0xFFFF, v1;
	v1 =	vshrl.u32 v1, $0x10  }
0xc1: {  	vm14 =	veq.s32 v2, v1  }
0xc2: {  	[tilespmem:$0x5130] =	vst v1;
	v1 =	vsel vm14, $0x2710, v2  }
0xc3: {  	[tilespmem:$0x50B0] =	vst v1  }
0xc4: {  	v1 =	vld [tilespmem:s6+$0x180];
	_ =	sdelay $0x4  }
0xc5: {  	v2 =	vand.u32 $0xFFFF, v1;
	v1 =	vshrl.u32 v1, $0x10  }
0xc6: {  	vm15 =	veq.s32 v2, v1  }
0xc7: {  	[tilespmem:$0x5140] =	vst v1;
	v1 =	vsel vm15, $0x2710, v2  }
0xc8: {  	[tilespmem:$0x50C0] =	vst v1  }
0xc9: {  	[tilespmem:s23], [sflag:$0x2] =	stream.indirect.gather [hbm4b:s4+s20], $0x80, s22, s20, $0xb8;
	[tilespmem:$0x1E280] =	vst v63  }
0xca: {  	_ =	swait.ge [sflag:s31], $0x2800  }
0xcb: {  	[sflag:s31] =	ssyncset.done $0x0  }
0xcc: {  	[sflag:s31] =	ssyncadd.s32 $0xFFFFD800  }
0xcd: {  	[spmem:s1] =	stream.indirect.scatter.add.f32 [tilespmem:s25], [sflag:$0x6], $0x80, s0, s20, $0xb8;
	[tilespmem:$0x1E280] =	vst v63  }
0xce: {  	_ =	swait.ge [sflag:s28], $0x2800  }
0xcf: {  	s6 =	simm.s32 $0xF0;
	[sflag:s28] =	ssyncset.done $0x0  }
.LBB2_4:
0xd0: {  	p0 =	sne.s32 s6, $0x2580;
	[sflag:s28] =	ssyncadd.s32 $0xFFFFD800;
	s2 =	sadd.s32 $0xF0, s2  }
0xd1: {  	s7 =	smov.u32 s6;
	s6 =	sadd.s32 $0xF0, s6;
	v1 =	vld [tilespmem:s2+$0xFFFFFFE0];
	_ =	sdelay $0x4  }
0xd2: {  	v2 =	vand.u32 $0xFFFF, v1;
	v1 =	vshrl.u32 v1, $0x10  }
0xd3: {  	vm0 =	veq.s32 v2, v1  }
0xd4: {  	v2 =	vsel vm0, $0x2710, v2;
	[tilespmem:$0x7A00] =	vst v1  }
0xd5: {  	[tilespmem:$0x7980] =	vst v2  }
0xd6: {  	v1 =	vld [tilespmem:s2+$0xFFFFFFF0];
	_ =	sdelay $0x4  }
0xd7: {  	v2 =	vand.u32 $0xFFFF, v1;
	v1 =	vshrl.u32 v1, $0x10  }
0xd8: {  	vm0 =	veq.s32 v2, v1  }
0xd9: {  	v2 =	vsel vm0, $0x2710, v2;
	[tilespmem:$0x7A10] =	vst v1  }
0xda: {  	[tilespmem:$0x7990] =	vst v2  }
0xdb: {  	v1 =	vld [tilespmem:s2+$0x0];
	_ =	sdelay $0x4  }
0xdc: {  	v2 =	vand.u32 $0xFFFF, v1;
	v1 =	vshrl.u32 v1, $0x10  }
0xdd: {  	vm0 =	veq.s32 v2, v1  }
0xde: {  	v2 =	vsel vm0, $0x2710, v2;
	[tilespmem:$0x7A20] =	vst v1  }
0xdf: {  	[tilespmem:$0x79A0] =	vst v2  }
0xe0: {  	v1 =	vld [tilespmem:s2+$0x10];
	_ =	sdelay $0x4  }
0xe1: {  	v2 =	vand.u32 $0xFFFF, v1;
	v1 =	vshrl.u32 v1, $0x10  }
0xe2: {  	vm0 =	veq.s32 v2, v1;
	[tilespmem:$0x7A30] =	vst v1  }
0xe3: {  	v1 =	vsel vm0, $0x2710, v2  }
0xe4: {  	[tilespmem:$0x79B0] =	vst v1  }
0xe5: {  	v1 =	vld [tilespmem:s2+$0x20];
	_ =	sdelay $0x4  }
0xe6: {  	v2 =	vand.u32 $0xFFFF, v1;
	v1 =	vshrl.u32 v1, $0x10  }
0xe7: {  	vm0 =	veq.s32 v2, v1;
	[tilespmem:$0x7A40] =	vst v1  }
0xe8: {  	v1 =	vsel vm0, $0x2710, v2  }
0xe9: {  	[tilespmem:$0x79C0] =	vst v1  }
0xea: {  	[tilespmem:s25], [sflag:$0x3] =	stream.indirect.gather [hbm4b:s4+s20], $0x80, s24, s20, $0xb8;
	[tilespmem:$0x1E280] =	vst v63  }
0xeb: {  	_ =	swait.ge [sflag:s19], $0x2800  }
0xec: {  	[sflag:s19] =	ssyncset.done $0x0  }
0xed: {  	[sflag:s19] =	ssyncadd.s32 $0xFFFFD800  }
0xee: {  	[spmem:s1] =	stream.indirect.scatter.add.f32 [tilespmem:s16], [sflag:$0x6], $0x80, s26, s20, $0xb8;
	[tilespmem:$0x1E280] =	vst v63  }
0xef: {  	_ =	swait.ge [sflag:s28], $0x2800  }
0xf0: {  	[sflag:s28] =	ssyncset.done $0x0  }
0xf1: {  	[sflag:s28] =	ssyncadd.s32 $0xFFFFD800  }
0xf2: {  	v1 =	vld [tilespmem:s2+$0x30];
	_ =	sdelay $0x4  }
0xf3: {  	v2 =	vand.u32 $0xFFFF, v1;
	v1 =	vshrl.u32 v1, $0x10  }
0xf4: {  	vm0 =	veq.s32 v2, v1  }
0xf5: {  	v2 =	vsel vm0, $0x2710, v2;
	[tilespmem:$0x2800] =	vst v1  }
0xf6: {  	s7 =	sand.u32 $0x3FF0, s7;
	[tilespmem:$0x2780] =	vst v2  }
0xf7: {  	v1 =	vld [tilespmem:s7+$0x100];
	_ =	sdelay $0x4  }
0xf8: {  	v2 =	vand.u32 $0xFFFF, v1;
	v1 =	vshrl.u32 v1, $0x10  }
0xf9: {  	vm0 =	veq.s32 v2, v1;
	[tilespmem:$0x2810] =	vst v1  }
0xfa: {  	v1 =	vsel vm0, $0x2710, v2  }
0xfb: {  	[tilespmem:$0x2790] =	vst v1  }
0xfc: {  	v1 =	vld [tilespmem:s2+$0x50];
	_ =	sdelay $0x4  }
0xfd: {  	v2 =	vand.u32 $0xFFFF, v1;
	v1 =	vshrl.u32 v1, $0x10  }
0xfe: {  	vm0 =	veq.s32 v2, v1;
	[tilespmem:$0x2820] =	vst v1  }
0xff: {  	v1 =	vsel vm0, $0x2710, v2  }
0x100: {  	[tilespmem:$0x27A0] =	vst v1  }
0x101: {  	v1 =	vld [tilespmem:s2+$0x60];
	_ =	sdelay $0x4  }
0x102: {  	v2 =	vand.u32 $0xFFFF, v1;
	v1 =	vshrl.u32 v1, $0x10  }
0x103: {  	vm0 =	veq.s32 v2, v1;
	[tilespmem:$0x2830] =	vst v1  }
0x104: {  	v1 =	vsel vm0, $0x2710, v2  }
0x105: {  	[tilespmem:$0x27B0] =	vst v1  }
0x106: {  	v1 =	vld [tilespmem:s2+$0x70];
	_ =	sdelay $0x4  }
0x107: {  	v2 =	vand.u32 $0xFFFF, v1;
	v1 =	vshrl.u32 v1, $0x10  }
0x108: {  	vm0 =	veq.s32 v2, v1;
	[tilespmem:$0x2840] =	vst v1  }
0x109: {  	v1 =	vsel vm0, $0x2710, v2  }
0x10a: {  	[tilespmem:$0x27C0] =	vst v1  }
0x10b: {  	[tilespmem:s16], [sflag:$0x1] =	stream.indirect.gather [hbm4b:s4+s20], $0x80, s21, s20, $0xb8;
	[tilespmem:$0x1E280] =	vst v63  }
0x10c: {  	_ =	swait.ge [sflag:s29], $0x2800  }
0x10d: {  	[sflag:s29] =	ssyncset.done $0x0  }
0x10e: {  	[sflag:s29] =	ssyncadd.s32 $0xFFFFD800  }
0x10f: {  	[spmem:s1] =	stream.indirect.scatter.add.f32 [tilespmem:s23], [sflag:$0x6], $0x80, s30, s20, $0xb8;
	[tilespmem:$0x1E280] =	vst v63  }
0x110: {  	_ =	swait.ge [sflag:s28], $0x2800  }
0x111: {  	[sflag:s28] =	ssyncset.done $0x0  }
0x112: {  	[sflag:s28] =	ssyncadd.s32 $0xFFFFD800  }
0x113: {  	v1 =	vld [tilespmem:s2+$0x80];
	_ =	sdelay $0x4  }
0x114: {  	v2 =	vand.u32 $0xFFFF, v1;
	v1 =	vshrl.u32 v1, $0x10  }
0x115: {  	vm0 =	veq.s32 v2, v1  }
0x116: {  	v2 =	vsel vm0, $0x2710, v2;
	[tilespmem:$0x5100] =	vst v1  }
0x117: {  	[tilespmem:$0x5080] =	vst v2  }
0x118: {  	v1 =	vld [tilespmem:s2+$0x90];
	_ =	sdelay $0x4  }
0x119: {  	v2 =	vand.u32 $0xFFFF, v1;
	v1 =	vshrl.u32 v1, $0x10  }
0x11a: {  	vm0 =	veq.s32 v2, v1;
	[tilespmem:$0x5110] =	vst v1  }
0x11b: {  	v1 =	vsel vm0, $0x2710, v2  }
0x11c: {  	[tilespmem:$0x5090] =	vst v1  }
0x11d: {  	v1 =	vld [tilespmem:s2+$0xA0];
	_ =	sdelay $0x4  }
0x11e: {  	v2 =	vand.u32 $0xFFFF, v1;
	v1 =	vshrl.u32 v1, $0x10  }
0x11f: {  	vm0 =	veq.s32 v2, v1;
	[tilespmem:$0x5120] =	vst v1  }
0x120: {  	v1 =	vsel vm0, $0x2710, v2  }
0x121: {  	[tilespmem:$0x50A0] =	vst v1  }
0x122: {  	v1 =	vld [tilespmem:s2+$0xB0];
	_ =	sdelay $0x4  }
0x123: {  	v2 =	vand.u32 $0xFFFF, v1;
	v1 =	vshrl.u32 v1, $0x10  }
0x124: {  	vm0 =	veq.s32 v2, v1;
	[tilespmem:$0x5130] =	vst v1  }
0x125: {  	v1 =	vsel vm0, $0x2710, v2  }
0x126: {  	[tilespmem:$0x50B0] =	vst v1  }
0x127: {  	v1 =	vld [tilespmem:s7+$0x180];
	_ =	sdelay $0x4  }
0x128: {  	v2 =	vand.u32 $0xFFFF, v1;
	v1 =	vshrl.u32 v1, $0x10  }
0x129: {  	vm0 =	veq.s32 v2, v1;
	[tilespmem:$0x5140] =	vst v1  }
0x12a: {  	v1 =	vsel vm0, $0x2710, v2  }
0x12b: {  	[tilespmem:$0x50C0] =	vst v1  }
0x12c: {  	[tilespmem:s23], [sflag:$0x2] =	stream.indirect.gather [hbm4b:s4+s20], $0x80, s22, s20, $0xb8;
	[tilespmem:$0x1E280] =	vst v63  }
0x12d: {  	_ =	swait.ge [sflag:s31], $0x2800  }
.Ltmp1:
0x12e: {  	[sflag:s31] =	ssyncset.done $0x0;
	(pc) =	sbr.rel @p0 .LBB2_4-.Ltmp1, $4  }
0x12f: {  	[sflag:s31] =	ssyncadd.s32 $0xFFFFD800  }
0x130: {  	[spmem:s1] =	stream.indirect.scatter.add.f32 [tilespmem:s25], [sflag:$0x6], $0x80, s0, s20, $0xb8;
	[tilespmem:$0x1E280] =	vst v63  }
0x131: {  	_ =	swait.ge [sflag:s28], $0x2800  }
0x132: {  	[sflag:s28] =	ssyncset.done $0x0  }
0x133: {  	[sflag:s28] =	ssyncadd.s32 $0xFFFFD800  }
0x134: {  	_ =	swait.ge [sflag:s19], $0x2800  }
0x135: {  	[sflag:s19] =	ssyncset.done $0x0  }
0x136: {  	[sflag:s19] =	ssyncadd.s32 $0xFFFFD800  }
0x137: {  	[spmem:s1] =	stream.indirect.scatter.add.f32 [tilespmem:s16], [sflag:$0x6], $0x80, s26, s20, $0xb8;
	[tilespmem:$0x1E280] =	vst v63  }
0x138: {  	_ =	swait.ge [sflag:s28], $0x2800  }
0x139: {  	[sflag:s28] =	ssyncset.done $0x0  }
0x13a: {  	[sflag:s28] =	ssyncadd.s32 $0xFFFFD800  }
0x13b: {  	_ =	swait.ge [sflag:s29], $0x2800  }
0x13c: {  	[sflag:s29] =	ssyncset.done $0x0  }
0x13d: {  	[sflag:s29] =	ssyncadd.s32 $0xFFFFD800  }
0x13e: {  	[spmem:s1] =	stream.indirect.scatter.add.f32 [tilespmem:s23], [sflag:$0x6], $0x80, s30, s20, $0xb8;
	[tilespmem:$0x1E280] =	vst v63  }
0x13f: {  	s2 =	stileid.u32;
	_ =	swait.ge [sflag:s28], $0x2800  }
0x140: {  	s6 =	sshrl.u32 s5, $0x3;
	s3 =	sadd.s32 $0x1, s3;
	[sflag:s28] =	ssyncset.done $0x0  }
0x141: {  	s2 =	sshll.u32 s2, $0x6;
	p0 =	sne.s32 s3, s15;
	[sflag:s28] =	ssyncadd.s32 $0xFFFFD800  }
.Ltmp2:
0x142: {  	s2 =	sor.u32 $0x1C06, s2;
	[bflag:$0x0] =	sbarrier.arrive $0xFFFF;
	(pc) =	sbr.rel @p0 .LBB2_1-.Ltmp2, $4  }
0x143: {  	[hbm:s14], [sflag:s2] =	dma.local [spmem:s6], $0x2800  }
0x144: {  	_ =	swait.ge [sflag:s28], $0x2800  }
0x145: {  	[sflag:s28] =	ssyncset.done $0x0  }
0x146: {  	[sflag:s28] =	ssyncadd.s32 $0xFFFFD800  }
0x147: {  	_ =	sfence.sel $0x180000  }
0x148: {  	[bflag:$0x0] =	sbarrier.arrive $0xFFFF  }
0x149: {  	_ =	strace $0x90000047  }
0x14a: {  	s0 =	stileid.u32;
	[bflag:$0x2] =	sbarrier.arrive $0xFFFF  }
0x14b: {  	p0 =	sne.s32 s0, $0x0;
	s0 =	rddreg [dreg:$0x3]  }
0x14c: {  	s0 =	sadd.s32 @!p0 $0x100000, s0  }
0x14d: {  	[sflag:s0] =	ssyncadd.tile.s32 @!p0 $0x1;
	_ =	shalt  }
.Lfunc_end2:
_tile_overlayer_lowered:
.L_overlay_start_2:
0x14e: {  	(tag) =	ssettag $0x2  }
0x14f: {  	s0 =	rddreg [dreg:$0x0];
	s2 =	stileid.u32  }
0x150: {  	s1 =	rddreg [dreg:$0x1];
	p0 =	sne.s32 s2, $0x0  }
0x151: {  	s3 =	rddreg [dreg:$0x2];
	[bflag:$0x3] =	sbarrier.arrive $0xFFFF;
	s2 =	simm.s32 @!p0 $0x1C06  }
0x152: {  	[timem:s3], [sflag:s2] =	dma.local @!p0 [hbm:s0], s1  }
0x153: {  	s0 =	simm.s32 @!p0 $0x6  }
0x154: {  	_ =	swait.ge @!p0 [sflag:s0], s1  }
0x155: {  	s1 =	ssub.s32 @!p0 $0x0, s1;
	[sflag:s0] =	ssyncset.done @!p0 $0x0  }
0x156: {  	[sflag:s0] =	ssyncadd.s32 @!p0 s1  }
0x157: {  	[bflag:$0x3] =	sbarrier.arrive $0xFFFF  }
0x158: {  	_ =	shalt  }

</sc_bundles>
